<compile_context>
chip_gen: v7x
topology: tpu7x:2x2x1
jax: 0.10.2.dev20260603
libtpu: 0.0.44.dev20260713+nightly
codegen_flags: <defaults>
</compile_context>

<pallas_src>
import functools

import jax
import jax.numpy as jnp
from jax import lax
from jax.experimental import pallas as pl
from jax.experimental.pallas import tpu as pltpu
from jax.experimental.pallas import tpu_sc as plsc

_N_BLOCK = 1024
_N_CHUNKS = 2

_NC = 2
_NS = 16
_NW = _NC * _NS
_GATHER_CHUNK = 128


def _argmin_block_kernel(zt_ref, cb2_ref, cbsq_ref, idx_ref):
    zt = zt_ref[0]
    cb2 = cb2_ref[...]
    nb = zt.shape[1]
    k = cb2.shape[0]

    scores2_t = jax.lax.dot_general(
        cb2, zt, (((1,), (0,)), ((), ())),
        preferred_element_type=jnp.float32)
    zsq = jnp.sum(zt * zt, axis=0, keepdims=True)
    d = (zsq - scores2_t) + cbsq_ref[...]

    colmin = jnp.min(d, axis=0, keepdims=True)
    sub = jax.lax.broadcasted_iota(jnp.int32, (k, nb), 0)
    idx = jnp.min(jnp.where(d == colmin, sub, k), axis=0,
                  keepdims=True)
    i = pl.program_id(0)
    idx_ref[pl.ds(i, 1), :] = idx


def _tc_argmin(zt, codebook2, cb_sq_col):
    nblocks, d_model, nb = zt.shape
    k = codebook2.shape[0]
    n = nblocks * nb
    return pl.pallas_call(
        _argmin_block_kernel,
        grid=(nblocks,),
        in_specs=[
            pl.BlockSpec((1, d_model, nb), lambda i: (i, 0, 0)),
            pl.BlockSpec((k, d_model), lambda i: (0, 0)),
            pl.BlockSpec((k, 1), lambda i: (0, 0)),
        ],
        out_specs=pl.BlockSpec((n // nb, nb), lambda i: (0, 0)),
        out_shape=jax.ShapeDtypeStruct((n // nb, nb), jnp.int32),
        compiler_params=pltpu.CompilerParams(
            dimension_semantics=("arbitrary",)),
    )(zt, codebook2, cb_sq_col)


def _sc_gather_t(codebook_t, idx_flat, b, t, d_model):
    n = b * t
    bpw = n // _NW
    tiles_per_b = t // bpw
    k = codebook_t.shape[1]
    mesh = plsc.VectorSubcoreMesh(core_axis_name="c", subcore_axis_name="s")

    @functools.partial(
        pl.kernel, mesh=mesh,
        compiler_params=pltpu.CompilerParams(use_tc_tiling_on_sc=False,
                                             needs_layout_passes=False),
        out_type=[
            jax.ShapeDtypeStruct((b, d_model, t), jnp.float32),
        ],
        scratch_types=[
            pltpu.VMEM((bpw,), jnp.int32),
            pltpu.VMEM((d_model, k), jnp.float32),
            pltpu.VMEM((d_model, bpw), jnp.float32),
            pltpu.SemaphoreType.DMA,
        ],
    )
    def sc_kernel(cbt_hbm, idx_hbm, out_a, idx_v, cbt_v, buf, sem):
        wid = lax.axis_index("s") * _NC + lax.axis_index("c")
        base = wid * bpw
        bi = wid // tiles_per_b
        t0 = (wid % tiles_per_b) * bpw
        cp_idx = pltpu.async_copy(idx_hbm.at[pl.ds(base, bpw)], idx_v, sem)
        cp_cbt = pltpu.async_copy(cbt_hbm, cbt_v, sem)
        cp_idx.wait()
        cp_cbt.wait()

        def chunk_body(c, _):
            nvec = idx_v[pl.ds(c * 16, 16)]
            for dd in range(d_model):
                dvec = jnp.full((16,), dd, jnp.int32)
                buf[dd, pl.ds(c * 16, 16)] = plsc.load_gather(
                    cbt_v, [dvec, nvec])
            return _

        lax.fori_loop(0, bpw // 16, chunk_body, None)
        pltpu.async_copy(buf, out_a.at[bi, :, pl.ds(t0, bpw)], sem).wait()

    return sc_kernel(codebook_t, idx_flat)


@jax.jit
def kernel(z, codebook):
    b, t, d_model = z.shape
    n = b * t
    zt = jnp.transpose(z, (0, 2, 1))
    codebook2 = codebook * 2.0
    cb_sq_col = jnp.sum(codebook * codebook, axis=-1)[:, None]

    idx = _tc_argmin(zt, codebook2, cb_sq_col)
    (zq_t,) = _sc_gather_t(jnp.transpose(codebook),
                           idx.reshape(n), b, t, d_model)
    return (jnp.transpose(zq_t, (0, 2, 1)),
            jnp.transpose(zq_t, (0, 2, 1)),
            idx.reshape(b, t))

# --- scband reference (transcript-rebuilt; emitter-appended) ---
"""Pipeline reference for scband-vqvae-52999896432728 (READ-ONLY COPY).

The authoritative reference and input builder live on the scoring server;
editing this copy changes nothing except your own understanding.
"""

import jax, jax.numpy as jnp
import numpy as np

B, T, D, K = 16, 1024, 64, 1024

def setup_inputs(seed: int = 0) -> dict:
    key = jax.random.key(seed)
    k1, k2 = jax.random.split(key)
    z = jax.random.normal(k1, (B, T, D), dtype=jnp.float32)
    codebook = jax.random.normal(k2, (K, D), dtype=jnp.float32) * 0.02
    return {"z": z, "codebook": codebook}

def reference(z, codebook):
    # Vector-quantization core of the VQVAE (VectorQuantization + VQStraightThrough).
    zf = z.reshape(-1, z.shape[-1])                      # [B*T, D]
    # squared L2 distance to every codebook entry
    z_sq = jnp.sum(zf * zf, axis=-1, keepdims=True)      # [B*T, 1]
    cb_sq = jnp.sum(codebook * codebook, axis=-1)        # [K]
    dists = z_sq - 2.0 * (zf @ codebook.T) + cb_sq[None, :]
    idx = jnp.argmin(dists, axis=-1)                     # [B*T]
    z_q = jnp.take(codebook, idx, axis=0).reshape(z.shape)
    # straight-through estimator output
    z_q_st = z + jax.lax.stop_gradient(z_q - z)
    indices = idx.reshape(z.shape[:-1])
    return (z_q_st, z_q, indices)

if __name__ == "__main__":
    import jax
    _d = setup_inputs()
    print(jax.jit(kernel)(*tuple(_d.values())))

</pallas_src>

<mosaic_0001>
#map = affine_map<(d0, d1) -> (0, 0)>
#map1 = affine_map<(d0, d1) -> (0)>
#map2 = affine_map<(d0, d1) -> (0, 0, 0)>
module attributes {stable_mosaic.version = 14 : i64} {
  func.func @sc_kernel(%arg0: i32, %arg1: i32, %arg2: memref<64x1024xf32, #tpu.memory_space<hbm>>, %arg3: memref<16384xi32, #tpu.memory_space<hbm>>, %arg4: memref<16x64x1024xf32, #tpu.memory_space<hbm>>, %arg5: memref<512xi32, #tpu.memory_space<vmem>>, %arg6: memref<64x1024xf32, #tpu.memory_space<vmem>>, %arg7: memref<64x512xf32, #tpu.memory_space<vmem>>, %arg8: memref<!tpu.dma_semaphore, #tpu.memory_space<semaphore_mem>>) attributes {dimension_semantics = [#tpu.dimension_semantics<core_parallel>, #tpu.dimension_semantics<subcore_parallel>], iteration_bounds = array<i64: 2, 16>, scalar_prefetch = 0 : i64, scratch_operands = 4 : i64, tpu.core_type = #tpu.core_type<sc_vector_subcore>, window_params = [{transform_indices = #map}, {transform_indices = #map1}, {transform_indices = #map2}]} {
    %mul3A = arith.constant 2 : i32
    %mul3A_0 = arith.muli %arg1, %mul3A : i32
    %add3A = arith.addi %mul3A_0, %arg0 : i32
    %mul3A_1 = arith.constant 512 : i32
    %mul3A_2 = arith.muli %add3A, %mul3A_1 : i32
    %jit3A = arith.constant 2 : i32
    %div3A = arith.divsi %add3A, %jit3A : i32
    %sign3A = arith.constant 0 : i32
    %sign3A_3 = arith.cmpi sgt, %add3A, %sign3A : i32
    %sign3A_4 = arith.extui %sign3A_3 : i1 to i32
    %sign3A_5 = arith.constant 0 : i32
    %sign3A_6 = arith.cmpi slt, %add3A, %sign3A_5 : i32
    %sign3A_7 = arith.extui %sign3A_6 : i1 to i32
    %sign3A_8 = arith.subi %sign3A_4, %sign3A_7 : i32
    %sign3A_9 = arith.constant 0 : i32
    %sign3A_10 = arith.cmpi sgt, %jit3A, %sign3A_9 : i32
    %sign3A_11 = arith.extui %sign3A_10 : i1 to i32
    %sign3A_12 = arith.constant 0 : i32
    %sign3A_13 = arith.cmpi slt, %jit3A, %sign3A_12 : i32
    %sign3A_14 = arith.extui %sign3A_13 : i1 to i32
    %sign3A_15 = arith.subi %sign3A_11, %sign3A_14 : i32
    %ne3A = arith.cmpi ne, %sign3A_8, %sign3A_15 : i32
    %rem3A = arith.remsi %add3A, %jit3A : i32
    %ne3A_16 = arith.constant 0 : i32
    %ne3A_17 = arith.cmpi ne, %rem3A, %ne3A_16 : i32
    %and3A = arith.andi %ne3A, %ne3A_17 : i1
    %sub3A = arith.constant 1 : i32
    %sub3A_18 = arith.subi %div3A, %sub3A : i32
    %select_n3A = arith.select %and3A, %sub3A_18, %div3A : i32
    %jit3A_19 = arith.constant 2 : i32
    %eq3A = arith.constant 0 : i32
    %eq3A_20 = arith.cmpi eq, %jit3A_19, %eq3A : i32
    %jit3A_21 = arith.constant 1 : i32
    %select_n3A_22 = arith.select %eq3A_20, %jit3A_21, %jit3A_19 : i32
    %rem3A_23 = arith.remsi %add3A, %select_n3A_22 : i32
    %ne3A_24 = arith.constant 0 : i32
    %ne3A_25 = arith.cmpi ne, %rem3A_23, %ne3A_24 : i32
    %lt3A = arith.constant 0 : i32
    %lt3A_26 = arith.cmpi slt, %rem3A_23, %lt3A : i32
    %lt3A_27 = arith.constant 0 : i32
    %lt3A_28 = arith.cmpi slt, %select_n3A_22, %lt3A_27 : i32
    %ne3A_29 = arith.xori %lt3A_26, %lt3A_28 : i1
    %and3A_30 = arith.andi %ne3A_29, %ne3A_25 : i1
    %add3A_31 = arith.addi %rem3A_23, %select_n3A_22 : i32
    %select_n3A_32 = arith.select %and3A_30, %add3A_31, %rem3A_23 : i32
    %mul3A_33 = arith.constant 512 : i32
    %mul3A_34 = arith.muli %select_n3A_32, %mul3A_33 : i32
    %dma_start3A = tpu.memref_slice %arg3[%mul3A_2] : memref<16384xi32, #tpu.memory_space<hbm>> -> memref<512xi32, #tpu.memory_space<hbm>>
    %dma_start3A_35 = tpu.memref_slice %arg3[%mul3A_2] : memref<16384xi32, #tpu.memory_space<hbm>> -> memref<512xi32, #tpu.memory_space<hbm>>
    tpu.enqueue_dma source(%dma_start3A_35 : memref<512xi32, #tpu.memory_space<hbm>>) target(%arg5 : memref<512xi32, #tpu.memory_space<vmem>>) target_semaphore(%arg8 : memref<!tpu.dma_semaphore, #tpu.memory_space<semaphore_mem>>)
    tpu.enqueue_dma source(%arg2 : memref<64x1024xf32, #tpu.memory_space<hbm>>) target(%arg6 : memref<64x1024xf32, #tpu.memory_space<vmem>>) target_semaphore(%arg8 : memref<!tpu.dma_semaphore, #tpu.memory_space<semaphore_mem>>)
    %dma_wait3A = tpu.memref_slice %arg3[%mul3A_2] : memref<16384xi32, #tpu.memory_space<hbm>> -> memref<512xi32, #tpu.memory_space<hbm>>
    %dma_wait3A_36 = tpu.memref_slice %arg3[%mul3A_2] : memref<16384xi32, #tpu.memory_space<hbm>> -> memref<512xi32, #tpu.memory_space<hbm>>
    tpu.wait_dma2 semaphore(%arg8 : memref<!tpu.dma_semaphore, #tpu.memory_space<semaphore_mem>>) src(%dma_wait3A_36 : memref<512xi32, #tpu.memory_space<hbm>>) dst(%arg5 : memref<512xi32, #tpu.memory_space<vmem>>)
    tpu.wait_dma2 semaphore(%arg8 : memref<!tpu.dma_semaphore, #tpu.memory_space<semaphore_mem>>) src(%arg2 : memref<64x1024xf32, #tpu.memory_space<hbm>>) dst(%arg6 : memref<64x1024xf32, #tpu.memory_space<vmem>>)
    %scan3A = arith.constant 0 : i32
    %scan3A_37 = arith.constant 32 : i32
    %scan3A_38 = arith.addi %scan3A, %scan3A_37 : i32
    %scan3A_39 = arith.constant 1 : i32
    scf.for %scan3A_53 = %scan3A to %scan3A_38 step %scan3A_39  : i32 {
      %mul3A_54 = arith.constant 16 : i32
      %mul3A_55 = arith.muli %scan3A_53, %mul3A_54 : i32
      %get3A = arith.index_cast %mul3A_55 : i32 to index
      %get3A_56 = tpu.vector_load %arg5[%get3A] {strides = array<i32>} : memref<512xi32, #tpu.memory_space<vmem>>, vector<16xi32>,
      %broadcast_in_dim3A = arith.constant 0 : i32
      %broadcast_in_dim3A_57 = vector.broadcast %broadcast_in_dim3A : i32 to vector<16xi32>
      %gather3A = tpu.vector_load_idx %arg6[%broadcast_in_dim3A_57, %get3A_56] : memref<64x1024xf32, #tpu.memory_space<vmem>>[vector<16xi32>, vector<16xi32>], vector<16xf32>,
      %mul3A_58 = arith.constant 16 : i32
      %mul3A_59 = arith.muli %scan3A_53, %mul3A_58 : i32
      %swap3A = arith.constant 0 : i32
      %swap3A_60 = arith.index_cast %swap3A : i32 to index
      %swap3A_61 = arith.index_cast %mul3A_59 : i32 to index
      %swap3A_62 = tpu.vector_load %arg7[%swap3A_60, %swap3A_61] {strides = array<i32>} : memref<64x512xf32, #tpu.memory_space<vmem>>, vector<16xf32>,
      tpu.vector_store %arg7[%swap3A_60, %swap3A_61], %gather3A {strides = array<i32>} : memref<64x512xf32, #tpu.memory_space<vmem>>, vector<16xf32>,
      %broadcast_in_dim3A_63 = arith.constant 1 : i32
      %broadcast_in_dim3A_64 = vector.broadcast %broadcast_in_dim3A_63 : i32 to vector<16xi32>
      %gather3A_65 = tpu.vector_load_idx %arg6[%broadcast_in_dim3A_64, %get3A_56] : memref<64x1024xf32, #tpu.memory_space<vmem>>[vector<16xi32>, vector<16xi32>], vector<16xf32>,
      %mul3A_66 = arith.constant 16 : i32
      %mul3A_67 = arith.muli %scan3A_53, %mul3A_66 : i32
      %swap3A_68 = arith.constant 1 : i32
      %swap3A_69 = arith.index_cast %swap3A_68 : i32 to index
      %swap3A_70 = arith.index_cast %mul3A_67 : i32 to index
      %swap3A_71 = tpu.vector_load %arg7[%swap3A_69, %swap3A_70] {strides = array<i32>} : memref<64x512xf32, #tpu.memory_space<vmem>>, vector<16xf32>,
      tpu.vector_store %arg7[%swap3A_69, %swap3A_70], %gather3A_65 {strides = array<i32>} : memref<64x512xf32, #tpu.memory_space<vmem>>, vector<16xf32>,
      %broadcast_in_dim3A_72 = arith.constant 2 : i32
      %broadcast_in_dim3A_73 = vector.broadcast %broadcast_in_dim3A_72 : i32 to vector<16xi32>
      %gather3A_74 = tpu.vector_load_idx %arg6[%broadcast_in_dim3A_73, %get3A_56] : memref<64x1024xf32, #tpu.memory_space<vmem>>[vector<16xi32>, vector<16xi32>], vector<16xf32>,
      %mul3A_75 = arith.constant 16 : i32
      %mul3A_76 = arith.muli %scan3A_53, %mul3A_75 : i32
      %swap3A_77 = arith.constant 2 : i32
      %swap3A_78 = arith.index_cast %swap3A_77 : i32 to index
      %swap3A_79 = arith.index_cast %mul3A_76 : i32 to index
      %swap3A_80 = tpu.vector_load %arg7[%swap3A_78, %swap3A_79] {strides = array<i32>} : memref<64x512xf32, #tpu.memory_space<vmem>>, vector<16xf32>,
      tpu.vector_store %arg7[%swap3A_78, %swap3A_79], %gather3A_74 {strides = array<i32>} : memref<64x512xf32, #tpu.memory_space<vmem>>, vector<16xf32>,
      %broadcast_in_dim3A_81 = arith.constant 3 : i32
      %broadcast_in_dim3A_82 = vector.broadcast %broadcast_in_dim3A_81 : i32 to vector<16xi32>
      %gather3A_83 = tpu.vector_load_idx %arg6[%broadcast_in_dim3A_82, %get3A_56] : memref<64x1024xf32, #tpu.memory_space<vmem>>[vector<16xi32>, vector<16xi32>], vector<16xf32>,
      %mul3A_84 = arith.constant 16 : i32
      %mul3A_85 = arith.muli %scan3A_53, %mul3A_84 : i32
      %swap3A_86 = arith.constant 3 : i32
      %swap3A_87 = arith.index_cast %swap3A_86 : i32 to index
      %swap3A_88 = arith.index_cast %mul3A_85 : i32 to index
      %swap3A_89 = tpu.vector_load %arg7[%swap3A_87, %swap3A_88] {strides = array<i32>} : memref<64x512xf32, #tpu.memory_space<vmem>>, vector<16xf32>,
      tpu.vector_store %arg7[%swap3A_87, %swap3A_88], %gather3A_83 {strides = array<i32>} : memref<64x512xf32, #tpu.memory_space<vmem>>, vector<16xf32>,
      %broadcast_in_dim3A_90 = arith.constant 4 : i32
      %broadcast_in_dim3A_91 = vector.broadcast %broadcast_in_dim3A_90 : i32 to vector<16xi32>
      %gather3A_92 = tpu.vector_load_idx %arg6[%broadcast_in_dim3A_91, %get3A_56] : memref<64x1024xf32, #tpu.memory_space<vmem>>[vector<16xi32>, vector<16xi32>], vector<16xf32>,
      %mul3A_93 = arith.constant 16 : i32
      %mul3A_94 = arith.muli %scan3A_53, %mul3A_93 : i32
      %swap3A_95 = arith.constant 4 : i32
      %swap3A_96 = arith.index_cast %swap3A_95 : i32 to index
      %swap3A_97 = arith.index_cast %mul3A_94 : i32 to index
      %swap3A_98 = tpu.vector_load %arg7[%swap3A_96, %swap3A_97] {strides = array<i32>} : memref<64x512xf32, #tpu.memory_space<vmem>>, vector<16xf32>,
      tpu.vector_store %arg7[%swap3A_96, %swap3A_97], %gather3A_92 {strides = array<i32>} : memref<64x512xf32, #tpu.memory_space<vmem>>, vector<16xf32>,
      %broadcast_in_dim3A_99 = arith.constant 5 : i32
      %broadcast_in_dim3A_100 = vector.broadcast %broadcast_in_dim3A_99 : i32 to vector<16xi32>
      %gather3A_101 = tpu.vector_load_idx %arg6[%broadcast_in_dim3A_100, %get3A_56] : memref<64x1024xf32, #tpu.memory_space<vmem>>[vector<16xi32>, vector<16xi32>], vector<16xf32>,
      %mul3A_102 = arith.constant 16 : i32
      %mul3A_103 = arith.muli %scan3A_53, %mul3A_102 : i32
      %swap3A_104 = arith.constant 5 : i32
      %swap3A_105 = arith.index_cast %swap3A_104 : i32 to index
      %swap3A_106 = arith.index_cast %mul3A_103 : i32 to index
      %swap3A_107 = tpu.vector_load %arg7[%swap3A_105, %swap3A_106] {strides = array<i32>} : memref<64x512xf32, #tpu.memory_space<vmem>>, vector<16xf32>,
      tpu.vector_store %arg7[%swap3A_105, %swap3A_106], %gather3A_101 {strides = array<i32>} : memref<64x512xf32, #tpu.memory_space<vmem>>, vector<16xf32>,
      %broadcast_in_dim3A_108 = arith.constant 6 : i32
      %broadcast_in_dim3A_109 = vector.broadcast %broadcast_in_dim3A_108 : i32 to vector<16xi32>
      %gather3A_110 = tpu.vector_load_idx %arg6[%broadcast_in_dim3A_109, %get3A_56] : memref<64x1024xf32, #tpu.memory_space<vmem>>[vector<16xi32>, vector<16xi32>], vector<16xf32>,
      %mul3A_111 = arith.constant 16 : i32
      %mul3A_112 = arith.muli %scan3A_53, %mul3A_111 : i32
      %swap3A_113 = arith.constant 6 : i32
      %swap3A_114 = arith.index_cast %swap3A_113 : i32 to index
      %swap3A_115 = arith.index_cast %mul3A_112 : i32 to index
      %swap3A_116 = tpu.vector_load %arg7[%swap3A_114, %swap3A_115] {strides = array<i32>} : memref<64x512xf32, #tpu.memory_space<vmem>>, vector<16xf32>,
      tpu.vector_store %arg7[%swap3A_114, %swap3A_115], %gather3A_110 {strides = array<i32>} : memref<64x512xf32, #tpu.memory_space<vmem>>, vector<16xf32>,
      %broadcast_in_dim3A_117 = arith.constant 7 : i32
      %broadcast_in_dim3A_118 = vector.broadcast %broadcast_in_dim3A_117 : i32 to vector<16xi32>
      %gather3A_119 = tpu.vector_load_idx %arg6[%broadcast_in_dim3A_118, %get3A_56] : memref<64x1024xf32, #tpu.memory_space<vmem>>[vector<16xi32>, vector<16xi32>], vector<16xf32>,
      %mul3A_120 = arith.constant 16 : i32
      %mul3A_121 = arith.muli %scan3A_53, %mul3A_120 : i32
      %swap3A_122 = arith.constant 7 : i32
      %swap3A_123 = arith.index_cast %swap3A_122 : i32 to index
      %swap3A_124 = arith.index_cast %mul3A_121 : i32 to index
      %swap3A_125 = tpu.vector_load %arg7[%swap3A_123, %swap3A_124] {strides = array<i32>} : memref<64x512xf32, #tpu.memory_space<vmem>>, vector<16xf32>,
      tpu.vector_store %arg7[%swap3A_123, %swap3A_124], %gather3A_119 {strides = array<i32>} : memref<64x512xf32, #tpu.memory_space<vmem>>, vector<16xf32>,
      %broadcast_in_dim3A_126 = arith.constant 8 : i32
      %broadcast_in_dim3A_127 = vector.broadcast %broadcast_in_dim3A_126 : i32 to vector<16xi32>
      %gather3A_128 = tpu.vector_load_idx %arg6[%broadcast_in_dim3A_127, %get3A_56] : memref<64x1024xf32, #tpu.memory_space<vmem>>[vector<16xi32>, vector<16xi32>], vector<16xf32>,
      %mul3A_129 = arith.constant 16 : i32
      %mul3A_130 = arith.muli %scan3A_53, %mul3A_129 : i32
      %swap3A_131 = arith.constant 8 : i32
      %swap3A_132 = arith.index_cast %swap3A_131 : i32 to index
      %swap3A_133 = arith.index_cast %mul3A_130 : i32 to index
      %swap3A_134 = tpu.vector_load %arg7[%swap3A_132, %swap3A_133] {strides = array<i32>} : memref<64x512xf32, #tpu.memory_space<vmem>>, vector<16xf32>,
      tpu.vector_store %arg7[%swap3A_132, %swap3A_133], %gather3A_128 {strides = array<i32>} : memref<64x512xf32, #tpu.memory_space<vmem>>, vector<16xf32>,
      %broadcast_in_dim3A_135 = arith.constant 9 : i32
      %broadcast_in_dim3A_136 = vector.broadcast %broadcast_in_dim3A_135 : i32 to vector<16xi32>
      %gather3A_137 = tpu.vector_load_idx %arg6[%broadcast_in_dim3A_136, %get3A_56] : memref<64x1024xf32, #tpu.memory_space<vmem>>[vector<16xi32>, vector<16xi32>], vector<16xf32>,
      %mul3A_138 = arith.constant 16 : i32
      %mul3A_139 = arith.muli %scan3A_53, %mul3A_138 : i32
      %swap3A_140 = arith.constant 9 : i32
      %swap3A_141 = arith.index_cast %swap3A_140 : i32 to index
      %swap3A_142 = arith.index_cast %mul3A_139 : i32 to index
      %swap3A_143 = tpu.vector_load %arg7[%swap3A_141, %swap3A_142] {strides = array<i32>} : memref<64x512xf32, #tpu.memory_space<vmem>>, vector<16xf32>,
      tpu.vector_store %arg7[%swap3A_141, %swap3A_142], %gather3A_137 {strides = array<i32>} : memref<64x512xf32, #tpu.memory_space<vmem>>, vector<16xf32>,
      %broadcast_in_dim3A_144 = arith.constant 10 : i32
      %broadcast_in_dim3A_145 = vector.broadcast %broadcast_in_dim3A_144 : i32 to vector<16xi32>
      %gather3A_146 = tpu.vector_load_idx %arg6[%broadcast_in_dim3A_145, %get3A_56] : memref<64x1024xf32, #tpu.memory_space<vmem>>[vector<16xi32>, vector<16xi32>], vector<16xf32>,
      %mul3A_147 = arith.constant 16 : i32
      %mul3A_148 = arith.muli %scan3A_53, %mul3A_147 : i32
      %swap3A_149 = arith.constant 10 : i32
      %swap3A_150 = arith.index_cast %swap3A_149 : i32 to index
      %swap3A_151 = arith.index_cast %mul3A_148 : i32 to index
      %swap3A_152 = tpu.vector_load %arg7[%swap3A_150, %swap3A_151] {strides = array<i32>} : memref<64x512xf32, #tpu.memory_space<vmem>>, vector<16xf32>,
      tpu.vector_store %arg7[%swap3A_150, %swap3A_151], %gather3A_146 {strides = array<i32>} : memref<64x512xf32, #tpu.memory_space<vmem>>, vector<16xf32>,
      %broadcast_in_dim3A_153 = arith.constant 11 : i32
      %broadcast_in_dim3A_154 = vector.broadcast %broadcast_in_dim3A_153 : i32 to vector<16xi32>
      %gather3A_155 = tpu.vector_load_idx %arg6[%broadcast_in_dim3A_154, %get3A_56] : memref<64x1024xf32, #tpu.memory_space<vmem>>[vector<16xi32>, vector<16xi32>], vector<16xf32>,
      %mul3A_156 = arith.constant 16 : i32
      %mul3A_157 = arith.muli %scan3A_53, %mul3A_156 : i32
      %swap3A_158 = arith.constant 11 : i32
      %swap3A_159 = arith.index_cast %swap3A_158 : i32 to index
      %swap3A_160 = arith.index_cast %mul3A_157 : i32 to index
      %swap3A_161 = tpu.vector_load %arg7[%swap3A_159, %swap3A_160] {strides = array<i32>} : memref<64x512xf32, #tpu.memory_space<vmem>>, vector<16xf32>,
      tpu.vector_store %arg7[%swap3A_159, %swap3A_160], %gather3A_155 {strides = array<i32>} : memref<64x512xf32, #tpu.memory_space<vmem>>, vector<16xf32>,
      %broadcast_in_dim3A_162 = arith.constant 12 : i32
      %broadcast_in_dim3A_163 = vector.broadcast %broadcast_in_dim3A_162 : i32 to vector<16xi32>
      %gather3A_164 = tpu.vector_load_idx %arg6[%broadcast_in_dim3A_163, %get3A_56] : memref<64x1024xf32, #tpu.memory_space<vmem>>[vector<16xi32>, vector<16xi32>], vector<16xf32>,
      %mul3A_165 = arith.constant 16 : i32
      %mul3A_166 = arith.muli %scan3A_53, %mul3A_165 : i32
      %swap3A_167 = arith.constant 12 : i32
      %swap3A_168 = arith.index_cast %swap3A_167 : i32 to index
      %swap3A_169 = arith.index_cast %mul3A_166 : i32 to index
      %swap3A_170 = tpu.vector_load %arg7[%swap3A_168, %swap3A_169] {strides = array<i32>} : memref<64x512xf32, #tpu.memory_space<vmem>>, vector<16xf32>,
      tpu.vector_store %arg7[%swap3A_168, %swap3A_169], %gather3A_164 {strides = array<i32>} : memref<64x512xf32, #tpu.memory_space<vmem>>, vector<16xf32>,
      %broadcast_in_dim3A_171 = arith.constant 13 : i32
      %broadcast_in_dim3A_172 = vector.broadcast %broadcast_in_dim3A_171 : i32 to vector<16xi32>
      %gather3A_173 = tpu.vector_load_idx %arg6[%broadcast_in_dim3A_172, %get3A_56] : memref<64x1024xf32, #tpu.memory_space<vmem>>[vector<16xi32>, vector<16xi32>], vector<16xf32>,
      %mul3A_174 = arith.constant 16 : i32
      %mul3A_175 = arith.muli %scan3A_53, %mul3A_174 : i32
      %swap3A_176 = arith.constant 13 : i32
      %swap3A_177 = arith.index_cast %swap3A_176 : i32 to index
      %swap3A_178 = arith.index_cast %mul3A_175 : i32 to index
      %swap3A_179 = tpu.vector_load %arg7[%swap3A_177, %swap3A_178] {strides = array<i32>} : memref<64x512xf32, #tpu.memory_space<vmem>>, vector<16xf32>,
      tpu.vector_store %arg7[%swap3A_177, %swap3A_178], %gather3A_173 {strides = array<i32>} : memref<64x512xf32, #tpu.memory_space<vmem>>, vector<16xf32>,
      %broadcast_in_dim3A_180 = arith.constant 14 : i32
      %broadcast_in_dim3A_181 = vector.broadcast %broadcast_in_dim3A_180 : i32 to vector<16xi32>
      %gather3A_182 = tpu.vector_load_idx %arg6[%broadcast_in_dim3A_181, %get3A_56] : memref<64x1024xf32, #tpu.memory_space<vmem>>[vector<16xi32>, vector<16xi32>], vector<16xf32>,
      %mul3A_183 = arith.constant 16 : i32
      %mul3A_184 = arith.muli %scan3A_53, %mul3A_183 : i32
      %swap3A_185 = arith.constant 14 : i32
      %swap3A_186 = arith.index_cast %swap3A_185 : i32 to index
      %swap3A_187 = arith.index_cast %mul3A_184 : i32 to index
      %swap3A_188 = tpu.vector_load %arg7[%swap3A_186, %swap3A_187] {strides = array<i32>} : memref<64x512xf32, #tpu.memory_space<vmem>>, vector<16xf32>,
      tpu.vector_store %arg7[%swap3A_186, %swap3A_187], %gather3A_182 {strides = array<i32>} : memref<64x512xf32, #tpu.memory_space<vmem>>, vector<16xf32>,
      %broadcast_in_dim3A_189 = arith.constant 15 : i32
      %broadcast_in_dim3A_190 = vector.broadcast %broadcast_in_dim3A_189 : i32 to vector<16xi32>
      %gather3A_191 = tpu.vector_load_idx %arg6[%broadcast_in_dim3A_190, %get3A_56] : memref<64x1024xf32, #tpu.memory_space<vmem>>[vector<16xi32>, vector<16xi32>], vector<16xf32>,
      %mul3A_192 = arith.constant 16 : i32
      %mul3A_193 = arith.muli %scan3A_53, %mul3A_192 : i32
      %swap3A_194 = arith.constant 15 : i32
      %swap3A_195 = arith.index_cast %swap3A_194 : i32 to index
      %swap3A_196 = arith.index_cast %mul3A_193 : i32 to index
      %swap3A_197 = tpu.vector_load %arg7[%swap3A_195, %swap3A_196] {strides = array<i32>} : memref<64x512xf32, #tpu.memory_space<vmem>>, vector<16xf32>,
      tpu.vector_store %arg7[%swap3A_195, %swap3A_196], %gather3A_191 {strides = array<i32>} : memref<64x512xf32, #tpu.memory_space<vmem>>, vector<16xf32>,
      %broadcast_in_dim3A_198 = arith.constant 16 : i32
      %broadcast_in_dim3A_199 = vector.broadcast %broadcast_in_dim3A_198 : i32 to vector<16xi32>
      %gather3A_200 = tpu.vector_load_idx %arg6[%broadcast_in_dim3A_199, %get3A_56] : memref<64x1024xf32, #tpu.memory_space<vmem>>[vector<16xi32>, vector<16xi32>], vector<16xf32>,
      %mul3A_201 = arith.constant 16 : i32
      %mul3A_202 = arith.muli %scan3A_53, %mul3A_201 : i32
      %swap3A_203 = arith.constant 16 : i32
      %swap3A_204 = arith.index_cast %swap3A_203 : i32 to index
      %swap3A_205 = arith.index_cast %mul3A_202 : i32 to index
      %swap3A_206 = tpu.vector_load %arg7[%swap3A_204, %swap3A_205] {strides = array<i32>} : memref<64x512xf32, #tpu.memory_space<vmem>>, vector<16xf32>,
      tpu.vector_store %arg7[%swap3A_204, %swap3A_205], %gather3A_200 {strides = array<i32>} : memref<64x512xf32, #tpu.memory_space<vmem>>, vector<16xf32>,
      %broadcast_in_dim3A_207 = arith.constant 17 : i32
      %broadcast_in_dim3A_208 = vector.broadcast %broadcast_in_dim3A_207 : i32 to vector<16xi32>
      %gather3A_209 = tpu.vector_load_idx %arg6[%broadcast_in_dim3A_208, %get3A_56] : memref<64x1024xf32, #tpu.memory_space<vmem>>[vector<16xi32>, vector<16xi32>], vector<16xf32>,
      %mul3A_210 = arith.constant 16 : i32
      %mul3A_211 = arith.muli %scan3A_53, %mul3A_210 : i32
      %swap3A_212 = arith.constant 17 : i32
      %swap3A_213 = arith.index_cast %swap3A_212 : i32 to index
      %swap3A_214 = arith.index_cast %mul3A_211 : i32 to index
      %swap3A_215 = tpu.vector_load %arg7[%swap3A_213, %swap3A_214] {strides = array<i32>} : memref<64x512xf32, #tpu.memory_space<vmem>>, vector<16xf32>,
      tpu.vector_store %arg7[%swap3A_213, %swap3A_214], %gather3A_209 {strides = array<i32>} : memref<64x512xf32, #tpu.memory_space<vmem>>, vector<16xf32>,
      %broadcast_in_dim3A_216 = arith.constant 18 : i32
      %broadcast_in_dim3A_217 = vector.broadcast %broadcast_in_dim3A_216 : i32 to vector<16xi32>
      %gather3A_218 = tpu.vector_load_idx %arg6[%broadcast_in_dim3A_217, %get3A_56] : memref<64x1024xf32, #tpu.memory_space<vmem>>[vector<16xi32>, vector<16xi32>], vector<16xf32>,
      %mul3A_219 = arith.constant 16 : i32
      %mul3A_220 = arith.muli %scan3A_53, %mul3A_219 : i32
      %swap3A_221 = arith.constant 18 : i32
      %swap3A_222 = arith.index_cast %swap3A_221 : i32 to index
      %swap3A_223 = arith.index_cast %mul3A_220 : i32 to index
      %swap3A_224 = tpu.vector_load %arg7[%swap3A_222, %swap3A_223] {strides = array<i32>} : memref<64x512xf32, #tpu.memory_space<vmem>>, vector<16xf32>,
      tpu.vector_store %arg7[%swap3A_222, %swap3A_223], %gather3A_218 {strides = array<i32>} : memref<64x512xf32, #tpu.memory_space<vmem>>, vector<16xf32>,
      %broadcast_in_dim3A_225 = arith.constant 19 : i32
      %broadcast_in_dim3A_226 = vector.broadcast %broadcast_in_dim3A_225 : i32 to vector<16xi32>
      %gather3A_227 = tpu.vector_load_idx %arg6[%broadcast_in_dim3A_226, %get3A_56] : memref<64x1024xf32, #tpu.memory_space<vmem>>[vector<16xi32>, vector<16xi32>], vector<16xf32>,
      %mul3A_228 = arith.constant 16 : i32
      %mul3A_229 = arith.muli %scan3A_53, %mul3A_228 : i32
      %swap3A_230 = arith.constant 19 : i32
      %swap3A_231 = arith.index_cast %swap3A_230 : i32 to index
      %swap3A_232 = arith.index_cast %mul3A_229 : i32 to index
      %swap3A_233 = tpu.vector_load %arg7[%swap3A_231, %swap3A_232] {strides = array<i32>} : memref<64x512xf32, #tpu.memory_space<vmem>>, vector<16xf32>,
      tpu.vector_store %arg7[%swap3A_231, %swap3A_232], %gather3A_227 {strides = array<i32>} : memref<64x512xf32, #tpu.memory_space<vmem>>, vector<16xf32>,
      %broadcast_in_dim3A_234 = arith.constant 20 : i32
      %broadcast_in_dim3A_235 = vector.broadcast %broadcast_in_dim3A_234 : i32 to vector<16xi32>
      %gather3A_236 = tpu.vector_load_idx %arg6[%broadcast_in_dim3A_235, %get3A_56] : memref<64x1024xf32, #tpu.memory_space<vmem>>[vector<16xi32>, vector<16xi32>], vector<16xf32>,
      %mul3A_237 = arith.constant 16 : i32
      %mul3A_238 = arith.muli %scan3A_53, %mul3A_237 : i32
      %swap3A_239 = arith.constant 20 : i32
      %swap3A_240 = arith.index_cast %swap3A_239 : i32 to index
      %swap3A_241 = arith.index_cast %mul3A_238 : i32 to index
      %swap3A_242 = tpu.vector_load %arg7[%swap3A_240, %swap3A_241] {strides = array<i32>} : memref<64x512xf32, #tpu.memory_space<vmem>>, vector<16xf32>,
      tpu.vector_store %arg7[%swap3A_240, %swap3A_241], %gather3A_236 {strides = array<i32>} : memref<64x512xf32, #tpu.memory_space<vmem>>, vector<16xf32>,
      %broadcast_in_dim3A_243 = arith.constant 21 : i32
      %broadcast_in_dim3A_244 = vector.broadcast %broadcast_in_dim3A_243 : i32 to vector<16xi32>
      %gather3A_245 = tpu.vector_load_idx %arg6[%broadcast_in_dim3A_244, %get3A_56] : memref<64x1024xf32, #tpu.memory_space<vmem>>[vector<16xi32>, vector<16xi32>], vector<16xf32>,
      %mul3A_246 = arith.constant 16 : i32
      %mul3A_247 = arith.muli %scan3A_53, %mul3A_246 : i32
      %swap3A_248 = arith.constant 21 : i32
      %swap3A_249 = arith.index_cast %swap3A_248 : i32 to index
      %swap3A_250 = arith.index_cast %mul3A_247 : i32 to index
      %swap3A_251 = tpu.vector_load %arg7[%swap3A_249, %swap3A_250] {strides = array<i32>} : memref<64x512xf32, #tpu.memory_space<vmem>>, vector<16xf32>,
      tpu.vector_store %arg7[%swap3A_249, %swap3A_250], %gather3A_245 {strides = array<i32>} : memref<64x512xf32, #tpu.memory_space<vmem>>, vector<16xf32>,
      %broadcast_in_dim3A_252 = arith.constant 22 : i32
      %broadcast_in_dim3A_253 = vector.broadcast %broadcast_in_dim3A_252 : i32 to vector<16xi32>
      %gather3A_254 = tpu.vector_load_idx %arg6[%broadcast_in_dim3A_253, %get3A_56] : memref<64x1024xf32, #tpu.memory_space<vmem>>[vector<16xi32>, vector<16xi32>], vector<16xf32>,
      %mul3A_255 = arith.constant 16 : i32
      %mul3A_256 = arith.muli %scan3A_53, %mul3A_255 : i32
      %swap3A_257 = arith.constant 22 : i32
      %swap3A_258 = arith.index_cast %swap3A_257 : i32 to index
      %swap3A_259 = arith.index_cast %mul3A_256 : i32 to index
      %swap3A_260 = tpu.vector_load %arg7[%swap3A_258, %swap3A_259] {strides = array<i32>} : memref<64x512xf32, #tpu.memory_space<vmem>>, vector<16xf32>,
      tpu.vector_store %arg7[%swap3A_258, %swap3A_259], %gather3A_254 {strides = array<i32>} : memref<64x512xf32, #tpu.memory_space<vmem>>, vector<16xf32>,
      %broadcast_in_dim3A_261 = arith.constant 23 : i32
      %broadcast_in_dim3A_262 = vector.broadcast %broadcast_in_dim3A_261 : i32 to vector<16xi32>
      %gather3A_263 = tpu.vector_load_idx %arg6[%broadcast_in_dim3A_262, %get3A_56] : memref<64x1024xf32, #tpu.memory_space<vmem>>[vector<16xi32>, vector<16xi32>], vector<16xf32>,
      %mul3A_264 = arith.constant 16 : i32
      %mul3A_265 = arith.muli %scan3A_53, %mul3A_264 : i32
      %swap3A_266 = arith.constant 23 : i32
      %swap3A_267 = arith.index_cast %swap3A_266 : i32 to index
      %swap3A_268 = arith.index_cast %mul3A_265 : i32 to index
      %swap3A_269 = tpu.vector_load %arg7[%swap3A_267, %swap3A_268] {strides = array<i32>} : memref<64x512xf32, #tpu.memory_space<vmem>>, vector<16xf32>,
      tpu.vector_store %arg7[%swap3A_267, %swap3A_268], %gather3A_263 {strides = array<i32>} : memref<64x512xf32, #tpu.memory_space<vmem>>, vector<16xf32>,
      %broadcast_in_dim3A_270 = arith.constant 24 : i32
      %broadcast_in_dim3A_271 = vector.broadcast %broadcast_in_dim3A_270 : i32 to vector<16xi32>
      %gather3A_272 = tpu.vector_load_idx %arg6[%broadcast_in_dim3A_271, %get3A_56] : memref<64x1024xf32, #tpu.memory_space<vmem>>[vector<16xi32>, vector<16xi32>], vector<16xf32>,
      %mul3A_273 = arith.constant 16 : i32
      %mul3A_274 = arith.muli %scan3A_53, %mul3A_273 : i32
      %swap3A_275 = arith.constant 24 : i32
      %swap3A_276 = arith.index_cast %swap3A_275 : i32 to index
      %swap3A_277 = arith.index_cast %mul3A_274 : i32 to index
      %swap3A_278 = tpu.vector_load %arg7[%swap3A_276, %swap3A_277] {strides = array<i32>} : memref<64x512xf32, #tpu.memory_space<vmem>>, vector<16xf32>,
      tpu.vector_store %arg7[%swap3A_276, %swap3A_277], %gather3A_272 {strides = array<i32>} : memref<64x512xf32, #tpu.memory_space<vmem>>, vector<16xf32>,
      %broadcast_in_dim3A_279 = arith.constant 25 : i32
      %broadcast_in_dim3A_280 = vector.broadcast %broadcast_in_dim3A_279 : i32 to vector<16xi32>
      %gather3A_281 = tpu.vector_load_idx %arg6[%broadcast_in_dim3A_280, %get3A_56] : memref<64x1024xf32, #tpu.memory_space<vmem>>[vector<16xi32>, vector<16xi32>], vector<16xf32>,
      %mul3A_282 = arith.constant 16 : i32
      %mul3A_283 = arith.muli %scan3A_53, %mul3A_282 : i32
      %swap3A_284 = arith.constant 25 : i32
      %swap3A_285 = arith.index_cast %swap3A_284 : i32 to index
      %swap3A_286 = arith.index_cast %mul3A_283 : i32 to index
      %swap3A_287 = tpu.vector_load %arg7[%swap3A_285, %swap3A_286] {strides = array<i32>} : memref<64x512xf32, #tpu.memory_space<vmem>>, vector<16xf32>,
      tpu.vector_store %arg7[%swap3A_285, %swap3A_286], %gather3A_281 {strides = array<i32>} : memref<64x512xf32, #tpu.memory_space<vmem>>, vector<16xf32>,
      %broadcast_in_dim3A_288 = arith.constant 26 : i32
      %broadcast_in_dim3A_289 = vector.broadcast %broadcast_in_dim3A_288 : i32 to vector<16xi32>
      %gather3A_290 = tpu.vector_load_idx %arg6[%broadcast_in_dim3A_289, %get3A_56] : memref<64x1024xf32, #tpu.memory_space<vmem>>[vector<16xi32>, vector<16xi32>], vector<16xf32>,
      %mul3A_291 = arith.constant 16 : i32
      %mul3A_292 = arith.muli %scan3A_53, %mul3A_291 : i32
      %swap3A_293 = arith.constant 26 : i32
      %swap3A_294 = arith.index_cast %swap3A_293 : i32 to index
      %swap3A_295 = arith.index_cast %mul3A_292 : i32 to index
      %swap3A_296 = tpu.vector_load %arg7[%swap3A_294, %swap3A_295] {strides = array<i32>} : memref<64x512xf32, #tpu.memory_space<vmem>>, vector<16xf32>,
      tpu.vector_store %arg7[%swap3A_294, %swap3A_295], %gather3A_290 {strides = array<i32>} : memref<64x512xf32, #tpu.memory_space<vmem>>, vector<16xf32>,
      %broadcast_in_dim3A_297 = arith.constant 27 : i32
      %broadcast_in_dim3A_298 = vector.broadcast %broadcast_in_dim3A_297 : i32 to vector<16xi32>
      %gather3A_299 = tpu.vector_load_idx %arg6[%broadcast_in_dim3A_298, %get3A_56] : memref<64x1024xf32, #tpu.memory_space<vmem>>[vector<16xi32>, vector<16xi32>], vector<16xf32>,
      %mul3A_300 = arith.constant 16 : i32
      %mul3A_301 = arith.muli %scan3A_53, %mul3A_300 : i32
      %swap3A_302 = arith.constant 27 : i32
      %swap3A_303 = arith.index_cast %swap3A_302 : i32 to index
      %swap3A_304 = arith.index_cast %mul3A_301 : i32 to index
      %swap3A_305 = tpu.vector_load %arg7[%swap3A_303, %swap3A_304] {strides = array<i32>} : memref<64x512xf32, #tpu.memory_space<vmem>>, vector<16xf32>,
      tpu.vector_store %arg7[%swap3A_303, %swap3A_304], %gather3A_299 {strides = array<i32>} : memref<64x512xf32, #tpu.memory_space<vmem>>, vector<16xf32>,
      %broadcast_in_dim3A_306 = arith.constant 28 : i32
      %broadcast_in_dim3A_307 = vector.broadcast %broadcast_in_dim3A_306 : i32 to vector<16xi32>
      %gather3A_308 = tpu.vector_load_idx %arg6[%broadcast_in_dim3A_307, %get3A_56] : memref<64x1024xf32, #tpu.memory_space<vmem>>[vector<16xi32>, vector<16xi32>], vector<16xf32>,
      %mul3A_309 = arith.constant 16 : i32
      %mul3A_310 = arith.muli %scan3A_53, %mul3A_309 : i32
      %swap3A_311 = arith.constant 28 : i32
      %swap3A_312 = arith.index_cast %swap3A_311 : i32 to index
      %swap3A_313 = arith.index_cast %mul3A_310 : i32 to index
      %swap3A_314 = tpu.vector_load %arg7[%swap3A_312, %swap3A_313] {strides = array<i32>} : memref<64x512xf32, #tpu.memory_space<vmem>>, vector<16xf32>,
      tpu.vector_store %arg7[%swap3A_312, %swap3A_313], %gather3A_308 {strides = array<i32>} : memref<64x512xf32, #tpu.memory_space<vmem>>, vector<16xf32>,
      %broadcast_in_dim3A_315 = arith.constant 29 : i32
      %broadcast_in_dim3A_316 = vector.broadcast %broadcast_in_dim3A_315 : i32 to vector<16xi32>
      %gather3A_317 = tpu.vector_load_idx %arg6[%broadcast_in_dim3A_316, %get3A_56] : memref<64x1024xf32, #tpu.memory_space<vmem>>[vector<16xi32>, vector<16xi32>], vector<16xf32>,
      %mul3A_318 = arith.constant 16 : i32
      %mul3A_319 = arith.muli %scan3A_53, %mul3A_318 : i32
      %swap3A_320 = arith.constant 29 : i32
      %swap3A_321 = arith.index_cast %swap3A_320 : i32 to index
      %swap3A_322 = arith.index_cast %mul3A_319 : i32 to index
      %swap3A_323 = tpu.vector_load %arg7[%swap3A_321, %swap3A_322] {strides = array<i32>} : memref<64x512xf32, #tpu.memory_space<vmem>>, vector<16xf32>,
      tpu.vector_store %arg7[%swap3A_321, %swap3A_322], %gather3A_317 {strides = array<i32>} : memref<64x512xf32, #tpu.memory_space<vmem>>, vector<16xf32>,
      %broadcast_in_dim3A_324 = arith.constant 30 : i32
      %broadcast_in_dim3A_325 = vector.broadcast %broadcast_in_dim3A_324 : i32 to vector<16xi32>
      %gather3A_326 = tpu.vector_load_idx %arg6[%broadcast_in_dim3A_325, %get3A_56] : memref<64x1024xf32, #tpu.memory_space<vmem>>[vector<16xi32>, vector<16xi32>], vector<16xf32>,
      %mul3A_327 = arith.constant 16 : i32
      %mul3A_328 = arith.muli %scan3A_53, %mul3A_327 : i32
      %swap3A_329 = arith.constant 30 : i32
      %swap3A_330 = arith.index_cast %swap3A_329 : i32 to index
      %swap3A_331 = arith.index_cast %mul3A_328 : i32 to index
      %swap3A_332 = tpu.vector_load %arg7[%swap3A_330, %swap3A_331] {strides = array<i32>} : memref<64x512xf32, #tpu.memory_space<vmem>>, vector<16xf32>,
      tpu.vector_store %arg7[%swap3A_330, %swap3A_331], %gather3A_326 {strides = array<i32>} : memref<64x512xf32, #tpu.memory_space<vmem>>, vector<16xf32>,
      %broadcast_in_dim3A_333 = arith.constant 31 : i32
      %broadcast_in_dim3A_334 = vector.broadcast %broadcast_in_dim3A_333 : i32 to vector<16xi32>
      %gather3A_335 = tpu.vector_load_idx %arg6[%broadcast_in_dim3A_334, %get3A_56] : memref<64x1024xf32, #tpu.memory_space<vmem>>[vector<16xi32>, vector<16xi32>], vector<16xf32>,
      %mul3A_336 = arith.constant 16 : i32
      %mul3A_337 = arith.muli %scan3A_53, %mul3A_336 : i32
      %swap3A_338 = arith.constant 31 : i32
      %swap3A_339 = arith.index_cast %swap3A_338 : i32 to index
      %swap3A_340 = arith.index_cast %mul3A_337 : i32 to index
      %swap3A_341 = tpu.vector_load %arg7[%swap3A_339, %swap3A_340] {strides = array<i32>} : memref<64x512xf32, #tpu.memory_space<vmem>>, vector<16xf32>,
      tpu.vector_store %arg7[%swap3A_339, %swap3A_340], %gather3A_335 {strides = array<i32>} : memref<64x512xf32, #tpu.memory_space<vmem>>, vector<16xf32>,
      %broadcast_in_dim3A_342 = arith.constant 32 : i32
      %broadcast_in_dim3A_343 = vector.broadcast %broadcast_in_dim3A_342 : i32 to vector<16xi32>
      %gather3A_344 = tpu.vector_load_idx %arg6[%broadcast_in_dim3A_343, %get3A_56] : memref<64x1024xf32, #tpu.memory_space<vmem>>[vector<16xi32>, vector<16xi32>], vector<16xf32>,
      %mul3A_345 = arith.constant 16 : i32
      %mul3A_346 = arith.muli %scan3A_53, %mul3A_345 : i32
      %swap3A_347 = arith.constant 32 : i32
      %swap3A_348 = arith.index_cast %swap3A_347 : i32 to index
      %swap3A_349 = arith.index_cast %mul3A_346 : i32 to index
      %swap3A_350 = tpu.vector_load %arg7[%swap3A_348, %swap3A_349] {strides = array<i32>} : memref<64x512xf32, #tpu.memory_space<vmem>>, vector<16xf32>,
      tpu.vector_store %arg7[%swap3A_348, %swap3A_349], %gather3A_344 {strides = array<i32>} : memref<64x512xf32, #tpu.memory_space<vmem>>, vector<16xf32>,
      %broadcast_in_dim3A_351 = arith.constant 33 : i32
      %broadcast_in_dim3A_352 = vector.broadcast %broadcast_in_dim3A_351 : i32 to vector<16xi32>
      %gather3A_353 = tpu.vector_load_idx %arg6[%broadcast_in_dim3A_352, %get3A_56] : memref<64x1024xf32, #tpu.memory_space<vmem>>[vector<16xi32>, vector<16xi32>], vector<16xf32>,
      %mul3A_354 = arith.constant 16 : i32
      %mul3A_355 = arith.muli %scan3A_53, %mul3A_354 : i32
      %swap3A_356 = arith.constant 33 : i32
      %swap3A_357 = arith.index_cast %swap3A_356 : i32 to index
      %swap3A_358 = arith.index_cast %mul3A_355 : i32 to index
      %swap3A_359 = tpu.vector_load %arg7[%swap3A_357, %swap3A_358] {strides = array<i32>} : memref<64x512xf32, #tpu.memory_space<vmem>>, vector<16xf32>,
      tpu.vector_store %arg7[%swap3A_357, %swap3A_358], %gather3A_353 {strides = array<i32>} : memref<64x512xf32, #tpu.memory_space<vmem>>, vector<16xf32>,
      %broadcast_in_dim3A_360 = arith.constant 34 : i32
      %broadcast_in_dim3A_361 = vector.broadcast %broadcast_in_dim3A_360 : i32 to vector<16xi32>
      %gather3A_362 = tpu.vector_load_idx %arg6[%broadcast_in_dim3A_361, %get3A_56] : memref<64x1024xf32, #tpu.memory_space<vmem>>[vector<16xi32>, vector<16xi32>], vector<16xf32>,
      %mul3A_363 = arith.constant 16 : i32
      %mul3A_364 = arith.muli %scan3A_53, %mul3A_363 : i32
      %swap3A_365 = arith.constant 34 : i32
      %swap3A_366 = arith.index_cast %swap3A_365 : i32 to index
      %swap3A_367 = arith.index_cast %mul3A_364 : i32 to index
      %swap3A_368 = tpu.vector_load %arg7[%swap3A_366, %swap3A_367] {strides = array<i32>} : memref<64x512xf32, #tpu.memory_space<vmem>>, vector<16xf32>,
      tpu.vector_store %arg7[%swap3A_366, %swap3A_367], %gather3A_362 {strides = array<i32>} : memref<64x512xf32, #tpu.memory_space<vmem>>, vector<16xf32>,
      %broadcast_in_dim3A_369 = arith.constant 35 : i32
      %broadcast_in_dim3A_370 = vector.broadcast %broadcast_in_dim3A_369 : i32 to vector<16xi32>
      %gather3A_371 = tpu.vector_load_idx %arg6[%broadcast_in_dim3A_370, %get3A_56] : memref<64x1024xf32, #tpu.memory_space<vmem>>[vector<16xi32>, vector<16xi32>], vector<16xf32>,
      %mul3A_372 = arith.constant 16 : i32
      %mul3A_373 = arith.muli %scan3A_53, %mul3A_372 : i32
      %swap3A_374 = arith.constant 35 : i32
      %swap3A_375 = arith.index_cast %swap3A_374 : i32 to index
      %swap3A_376 = arith.index_cast %mul3A_373 : i32 to index
      %swap3A_377 = tpu.vector_load %arg7[%swap3A_375, %swap3A_376] {strides = array<i32>} : memref<64x512xf32, #tpu.memory_space<vmem>>, vector<16xf32>,
      tpu.vector_store %arg7[%swap3A_375, %swap3A_376], %gather3A_371 {strides = array<i32>} : memref<64x512xf32, #tpu.memory_space<vmem>>, vector<16xf32>,
      %broadcast_in_dim3A_378 = arith.constant 36 : i32
      %broadcast_in_dim3A_379 = vector.broadcast %broadcast_in_dim3A_378 : i32 to vector<16xi32>
      %gather3A_380 = tpu.vector_load_idx %arg6[%broadcast_in_dim3A_379, %get3A_56] : memref<64x1024xf32, #tpu.memory_space<vmem>>[vector<16xi32>, vector<16xi32>], vector<16xf32>,
      %mul3A_381 = arith.constant 16 : i32
      %mul3A_382 = arith.muli %scan3A_53, %mul3A_381 : i32
      %swap3A_383 = arith.constant 36 : i32
      %swap3A_384 = arith.index_cast %swap3A_383 : i32 to index
      %swap3A_385 = arith.index_cast %mul3A_382 : i32 to index
      %swap3A_386 = tpu.vector_load %arg7[%swap3A_384, %swap3A_385] {strides = array<i32>} : memref<64x512xf32, #tpu.memory_space<vmem>>, vector<16xf32>,
      tpu.vector_store %arg7[%swap3A_384, %swap3A_385], %gather3A_380 {strides = array<i32>} : memref<64x512xf32, #tpu.memory_space<vmem>>, vector<16xf32>,
      %broadcast_in_dim3A_387 = arith.constant 37 : i32
      %broadcast_in_dim3A_388 = vector.broadcast %broadcast_in_dim3A_387 : i32 to vector<16xi32>
      %gather3A_389 = tpu.vector_load_idx %arg6[%broadcast_in_dim3A_388, %get3A_56] : memref<64x1024xf32, #tpu.memory_space<vmem>>[vector<16xi32>, vector<16xi32>], vector<16xf32>,
      %mul3A_390 = arith.constant 16 : i32
      %mul3A_391 = arith.muli %scan3A_53, %mul3A_390 : i32
      %swap3A_392 = arith.constant 37 : i32
      %swap3A_393 = arith.index_cast %swap3A_392 : i32 to index
      %swap3A_394 = arith.index_cast %mul3A_391 : i32 to index
      %swap3A_395 = tpu.vector_load %arg7[%swap3A_393, %swap3A_394] {strides = array<i32>} : memref<64x512xf32, #tpu.memory_space<vmem>>, vector<16xf32>,
      tpu.vector_store %arg7[%swap3A_393, %swap3A_394], %gather3A_389 {strides = array<i32>} : memref<64x512xf32, #tpu.memory_space<vmem>>, vector<16xf32>,
      %broadcast_in_dim3A_396 = arith.constant 38 : i32
      %broadcast_in_dim3A_397 = vector.broadcast %broadcast_in_dim3A_396 : i32 to vector<16xi32>
      %gather3A_398 = tpu.vector_load_idx %arg6[%broadcast_in_dim3A_397, %get3A_56] : memref<64x1024xf32, #tpu.memory_space<vmem>>[vector<16xi32>, vector<16xi32>], vector<16xf32>,
      %mul3A_399 = arith.constant 16 : i32
      %mul3A_400 = arith.muli %scan3A_53, %mul3A_399 : i32
      %swap3A_401 = arith.constant 38 : i32
      %swap3A_402 = arith.index_cast %swap3A_401 : i32 to index
      %swap3A_403 = arith.index_cast %mul3A_400 : i32 to index
      %swap3A_404 = tpu.vector_load %arg7[%swap3A_402, %swap3A_403] {strides = array<i32>} : memref<64x512xf32, #tpu.memory_space<vmem>>, vector<16xf32>,
      tpu.vector_store %arg7[%swap3A_402, %swap3A_403], %gather3A_398 {strides = array<i32>} : memref<64x512xf32, #tpu.memory_space<vmem>>, vector<16xf32>,
      %broadcast_in_dim3A_405 = arith.constant 39 : i32
      %broadcast_in_dim3A_406 = vector.broadcast %broadcast_in_dim3A_405 : i32 to vector<16xi32>
      %gather3A_407 = tpu.vector_load_idx %arg6[%broadcast_in_dim3A_406, %get3A_56] : memref<64x1024xf32, #tpu.memory_space<vmem>>[vector<16xi32>, vector<16xi32>], vector<16xf32>,
      %mul3A_408 = arith.constant 16 : i32
      %mul3A_409 = arith.muli %scan3A_53, %mul3A_408 : i32
      %swap3A_410 = arith.constant 39 : i32
      %swap3A_411 = arith.index_cast %swap3A_410 : i32 to index
      %swap3A_412 = arith.index_cast %mul3A_409 : i32 to index
      %swap3A_413 = tpu.vector_load %arg7[%swap3A_411, %swap3A_412] {strides = array<i32>} : memref<64x512xf32, #tpu.memory_space<vmem>>, vector<16xf32>,
      tpu.vector_store %arg7[%swap3A_411, %swap3A_412], %gather3A_407 {strides = array<i32>} : memref<64x512xf32, #tpu.memory_space<vmem>>, vector<16xf32>,
      %broadcast_in_dim3A_414 = arith.constant 40 : i32
      %broadcast_in_dim3A_415 = vector.broadcast %broadcast_in_dim3A_414 : i32 to vector<16xi32>
      %gather3A_416 = tpu.vector_load_idx %arg6[%broadcast_in_dim3A_415, %get3A_56] : memref<64x1024xf32, #tpu.memory_space<vmem>>[vector<16xi32>, vector<16xi32>], vector<16xf32>,
      %mul3A_417 = arith.constant 16 : i32
      %mul3A_418 = arith.muli %scan3A_53, %mul3A_417 : i32
      %swap3A_419 = arith.constant 40 : i32
      %swap3A_420 = arith.index_cast %swap3A_419 : i32 to index
      %swap3A_421 = arith.index_cast %mul3A_418 : i32 to index
      %swap3A_422 = tpu.vector_load %arg7[%swap3A_420, %swap3A_421] {strides = array<i32>} : memref<64x512xf32, #tpu.memory_space<vmem>>, vector<16xf32>,
      tpu.vector_store %arg7[%swap3A_420, %swap3A_421], %gather3A_416 {strides = array<i32>} : memref<64x512xf32, #tpu.memory_space<vmem>>, vector<16xf32>,
      %broadcast_in_dim3A_423 = arith.constant 41 : i32
      %broadcast_in_dim3A_424 = vector.broadcast %broadcast_in_dim3A_423 : i32 to vector<16xi32>
      %gather3A_425 = tpu.vector_load_idx %arg6[%broadcast_in_dim3A_424, %get3A_56] : memref<64x1024xf32, #tpu.memory_space<vmem>>[vector<16xi32>, vector<16xi32>], vector<16xf32>,
      %mul3A_426 = arith.constant 16 : i32
      %mul3A_427 = arith.muli %scan3A_53, %mul3A_426 : i32
      %swap3A_428 = arith.constant 41 : i32
      %swap3A_429 = arith.index_cast %swap3A_428 : i32 to index
      %swap3A_430 = arith.index_cast %mul3A_427 : i32 to index
      %swap3A_431 = tpu.vector_load %arg7[%swap3A_429, %swap3A_430] {strides = array<i32>} : memref<64x512xf32, #tpu.memory_space<vmem>>, vector<16xf32>,
      tpu.vector_store %arg7[%swap3A_429, %swap3A_430], %gather3A_425 {strides = array<i32>} : memref<64x512xf32, #tpu.memory_space<vmem>>, vector<16xf32>,
      %broadcast_in_dim3A_432 = arith.constant 42 : i32
      %broadcast_in_dim3A_433 = vector.broadcast %broadcast_in_dim3A_432 : i32 to vector<16xi32>
      %gather3A_434 = tpu.vector_load_idx %arg6[%broadcast_in_dim3A_433, %get3A_56] : memref<64x1024xf32, #tpu.memory_space<vmem>>[vector<16xi32>, vector<16xi32>], vector<16xf32>,
      %mul3A_435 = arith.constant 16 : i32
      %mul3A_436 = arith.muli %scan3A_53, %mul3A_435 : i32
      %swap3A_437 = arith.constant 42 : i32
      %swap3A_438 = arith.index_cast %swap3A_437 : i32 to index
      %swap3A_439 = arith.index_cast %mul3A_436 : i32 to index
      %swap3A_440 = tpu.vector_load %arg7[%swap3A_438, %swap3A_439] {strides = array<i32>} : memref<64x512xf32, #tpu.memory_space<vmem>>, vector<16xf32>,
      tpu.vector_store %arg7[%swap3A_438, %swap3A_439], %gather3A_434 {strides = array<i32>} : memref<64x512xf32, #tpu.memory_space<vmem>>, vector<16xf32>,
      %broadcast_in_dim3A_441 = arith.constant 43 : i32
      %broadcast_in_dim3A_442 = vector.broadcast %broadcast_in_dim3A_441 : i32 to vector<16xi32>
      %gather3A_443 = tpu.vector_load_idx %arg6[%broadcast_in_dim3A_442, %get3A_56] : memref<64x1024xf32, #tpu.memory_space<vmem>>[vector<16xi32>, vector<16xi32>], vector<16xf32>,
      %mul3A_444 = arith.constant 16 : i32
      %mul3A_445 = arith.muli %scan3A_53, %mul3A_444 : i32
      %swap3A_446 = arith.constant 43 : i32
      %swap3A_447 = arith.index_cast %swap3A_446 : i32 to index
      %swap3A_448 = arith.index_cast %mul3A_445 : i32 to index
      %swap3A_449 = tpu.vector_load %arg7[%swap3A_447, %swap3A_448] {strides = array<i32>} : memref<64x512xf32, #tpu.memory_space<vmem>>, vector<16xf32>,
      tpu.vector_store %arg7[%swap3A_447, %swap3A_448], %gather3A_443 {strides = array<i32>} : memref<64x512xf32, #tpu.memory_space<vmem>>, vector<16xf32>,
      %broadcast_in_dim3A_450 = arith.constant 44 : i32
      %broadcast_in_dim3A_451 = vector.broadcast %broadcast_in_dim3A_450 : i32 to vector<16xi32>
      %gather3A_452 = tpu.vector_load_idx %arg6[%broadcast_in_dim3A_451, %get3A_56] : memref<64x1024xf32, #tpu.memory_space<vmem>>[vector<16xi32>, vector<16xi32>], vector<16xf32>,
      %mul3A_453 = arith.constant 16 : i32
      %mul3A_454 = arith.muli %scan3A_53, %mul3A_453 : i32
      %swap3A_455 = arith.constant 44 : i32
      %swap3A_456 = arith.index_cast %swap3A_455 : i32 to index
      %swap3A_457 = arith.index_cast %mul3A_454 : i32 to index
      %swap3A_458 = tpu.vector_load %arg7[%swap3A_456, %swap3A_457] {strides = array<i32>} : memref<64x512xf32, #tpu.memory_space<vmem>>, vector<16xf32>,
      tpu.vector_store %arg7[%swap3A_456, %swap3A_457], %gather3A_452 {strides = array<i32>} : memref<64x512xf32, #tpu.memory_space<vmem>>, vector<16xf32>,
      %broadcast_in_dim3A_459 = arith.constant 45 : i32
      %broadcast_in_dim3A_460 = vector.broadcast %broadcast_in_dim3A_459 : i32 to vector<16xi32>
      %gather3A_461 = tpu.vector_load_idx %arg6[%broadcast_in_dim3A_460, %get3A_56] : memref<64x1024xf32, #tpu.memory_space<vmem>>[vector<16xi32>, vector<16xi32>], vector<16xf32>,
      %mul3A_462 = arith.constant 16 : i32
      %mul3A_463 = arith.muli %scan3A_53, %mul3A_462 : i32
      %swap3A_464 = arith.constant 45 : i32
      %swap3A_465 = arith.index_cast %swap3A_464 : i32 to index
      %swap3A_466 = arith.index_cast %mul3A_463 : i32 to index
      %swap3A_467 = tpu.vector_load %arg7[%swap3A_465, %swap3A_466] {strides = array<i32>} : memref<64x512xf32, #tpu.memory_space<vmem>>, vector<16xf32>,
      tpu.vector_store %arg7[%swap3A_465, %swap3A_466], %gather3A_461 {strides = array<i32>} : memref<64x512xf32, #tpu.memory_space<vmem>>, vector<16xf32>,
      %broadcast_in_dim3A_468 = arith.constant 46 : i32
      %broadcast_in_dim3A_469 = vector.broadcast %broadcast_in_dim3A_468 : i32 to vector<16xi32>
      %gather3A_470 = tpu.vector_load_idx %arg6[%broadcast_in_dim3A_469, %get3A_56] : memref<64x1024xf32, #tpu.memory_space<vmem>>[vector<16xi32>, vector<16xi32>], vector<16xf32>,
      %mul3A_471 = arith.constant 16 : i32
      %mul3A_472 = arith.muli %scan3A_53, %mul3A_471 : i32
      %swap3A_473 = arith.constant 46 : i32
      %swap3A_474 = arith.index_cast %swap3A_473 : i32 to index
      %swap3A_475 = arith.index_cast %mul3A_472 : i32 to index
      %swap3A_476 = tpu.vector_load %arg7[%swap3A_474, %swap3A_475] {strides = array<i32>} : memref<64x512xf32, #tpu.memory_space<vmem>>, vector<16xf32>,
      tpu.vector_store %arg7[%swap3A_474, %swap3A_475], %gather3A_470 {strides = array<i32>} : memref<64x512xf32, #tpu.memory_space<vmem>>, vector<16xf32>,
      %broadcast_in_dim3A_477 = arith.constant 47 : i32
      %broadcast_in_dim3A_478 = vector.broadcast %broadcast_in_dim3A_477 : i32 to vector<16xi32>
      %gather3A_479 = tpu.vector_load_idx %arg6[%broadcast_in_dim3A_478, %get3A_56] : memref<64x1024xf32, #tpu.memory_space<vmem>>[vector<16xi32>, vector<16xi32>], vector<16xf32>,
      %mul3A_480 = arith.constant 16 : i32
      %mul3A_481 = arith.muli %scan3A_53, %mul3A_480 : i32
      %swap3A_482 = arith.constant 47 : i32
      %swap3A_483 = arith.index_cast %swap3A_482 : i32 to index
      %swap3A_484 = arith.index_cast %mul3A_481 : i32 to index
      %swap3A_485 = tpu.vector_load %arg7[%swap3A_483, %swap3A_484] {strides = array<i32>} : memref<64x512xf32, #tpu.memory_space<vmem>>, vector<16xf32>,
      tpu.vector_store %arg7[%swap3A_483, %swap3A_484], %gather3A_479 {strides = array<i32>} : memref<64x512xf32, #tpu.memory_space<vmem>>, vector<16xf32>,
      %broadcast_in_dim3A_486 = arith.constant 48 : i32
      %broadcast_in_dim3A_487 = vector.broadcast %broadcast_in_dim3A_486 : i32 to vector<16xi32>
      %gather3A_488 = tpu.vector_load_idx %arg6[%broadcast_in_dim3A_487, %get3A_56] : memref<64x1024xf32, #tpu.memory_space<vmem>>[vector<16xi32>, vector<16xi32>], vector<16xf32>,
      %mul3A_489 = arith.constant 16 : i32
      %mul3A_490 = arith.muli %scan3A_53, %mul3A_489 : i32
      %swap3A_491 = arith.constant 48 : i32
      %swap3A_492 = arith.index_cast %swap3A_491 : i32 to index
      %swap3A_493 = arith.index_cast %mul3A_490 : i32 to index
      %swap3A_494 = tpu.vector_load %arg7[%swap3A_492, %swap3A_493] {strides = array<i32>} : memref<64x512xf32, #tpu.memory_space<vmem>>, vector<16xf32>,
      tpu.vector_store %arg7[%swap3A_492, %swap3A_493], %gather3A_488 {strides = array<i32>} : memref<64x512xf32, #tpu.memory_space<vmem>>, vector<16xf32>,
      %broadcast_in_dim3A_495 = arith.constant 49 : i32
      %broadcast_in_dim3A_496 = vector.broadcast %broadcast_in_dim3A_495 : i32 to vector<16xi32>
      %gather3A_497 = tpu.vector_load_idx %arg6[%broadcast_in_dim3A_496, %get3A_56] : memref<64x1024xf32, #tpu.memory_space<vmem>>[vector<16xi32>, vector<16xi32>], vector<16xf32>,
      %mul3A_498 = arith.constant 16 : i32
      %mul3A_499 = arith.muli %scan3A_53, %mul3A_498 : i32
      %swap3A_500 = arith.constant 49 : i32
      %swap3A_501 = arith.index_cast %swap3A_500 : i32 to index
      %swap3A_502 = arith.index_cast %mul3A_499 : i32 to index
      %swap3A_503 = tpu.vector_load %arg7[%swap3A_501, %swap3A_502] {strides = array<i32>} : memref<64x512xf32, #tpu.memory_space<vmem>>, vector<16xf32>,
      tpu.vector_store %arg7[%swap3A_501, %swap3A_502], %gather3A_497 {strides = array<i32>} : memref<64x512xf32, #tpu.memory_space<vmem>>, vector<16xf32>,
      %broadcast_in_dim3A_504 = arith.constant 50 : i32
      %broadcast_in_dim3A_505 = vector.broadcast %broadcast_in_dim3A_504 : i32 to vector<16xi32>
      %gather3A_506 = tpu.vector_load_idx %arg6[%broadcast_in_dim3A_505, %get3A_56] : memref<64x1024xf32, #tpu.memory_space<vmem>>[vector<16xi32>, vector<16xi32>], vector<16xf32>,
      %mul3A_507 = arith.constant 16 : i32
      %mul3A_508 = arith.muli %scan3A_53, %mul3A_507 : i32
      %swap3A_509 = arith.constant 50 : i32
      %swap3A_510 = arith.index_cast %swap3A_509 : i32 to index
      %swap3A_511 = arith.index_cast %mul3A_508 : i32 to index
      %swap3A_512 = tpu.vector_load %arg7[%swap3A_510, %swap3A_511] {strides = array<i32>} : memref<64x512xf32, #tpu.memory_space<vmem>>, vector<16xf32>,
      tpu.vector_store %arg7[%swap3A_510, %swap3A_511], %gather3A_506 {strides = array<i32>} : memref<64x512xf32, #tpu.memory_space<vmem>>, vector<16xf32>,
      %broadcast_in_dim3A_513 = arith.constant 51 : i32
      %broadcast_in_dim3A_514 = vector.broadcast %broadcast_in_dim3A_513 : i32 to vector<16xi32>
      %gather3A_515 = tpu.vector_load_idx %arg6[%broadcast_in_dim3A_514, %get3A_56] : memref<64x1024xf32, #tpu.memory_space<vmem>>[vector<16xi32>, vector<16xi32>], vector<16xf32>,
      %mul3A_516 = arith.constant 16 : i32
      %mul3A_517 = arith.muli %scan3A_53, %mul3A_516 : i32
      %swap3A_518 = arith.constant 51 : i32
      %swap3A_519 = arith.index_cast %swap3A_518 : i32 to index
      %swap3A_520 = arith.index_cast %mul3A_517 : i32 to index
      %swap3A_521 = tpu.vector_load %arg7[%swap3A_519, %swap3A_520] {strides = array<i32>} : memref<64x512xf32, #tpu.memory_space<vmem>>, vector<16xf32>,
      tpu.vector_store %arg7[%swap3A_519, %swap3A_520], %gather3A_515 {strides = array<i32>} : memref<64x512xf32, #tpu.memory_space<vmem>>, vector<16xf32>,
      %broadcast_in_dim3A_522 = arith.constant 52 : i32
      %broadcast_in_dim3A_523 = vector.broadcast %broadcast_in_dim3A_522 : i32 to vector<16xi32>
      %gather3A_524 = tpu.vector_load_idx %arg6[%broadcast_in_dim3A_523, %get3A_56] : memref<64x1024xf32, #tpu.memory_space<vmem>>[vector<16xi32>, vector<16xi32>], vector<16xf32>,
      %mul3A_525 = arith.constant 16 : i32
      %mul3A_526 = arith.muli %scan3A_53, %mul3A_525 : i32
      %swap3A_527 = arith.constant 52 : i32
      %swap3A_528 = arith.index_cast %swap3A_527 : i32 to index
      %swap3A_529 = arith.index_cast %mul3A_526 : i32 to index
      %swap3A_530 = tpu.vector_load %arg7[%swap3A_528, %swap3A_529] {strides = array<i32>} : memref<64x512xf32, #tpu.memory_space<vmem>>, vector<16xf32>,
      tpu.vector_store %arg7[%swap3A_528, %swap3A_529], %gather3A_524 {strides = array<i32>} : memref<64x512xf32, #tpu.memory_space<vmem>>, vector<16xf32>,
      %broadcast_in_dim3A_531 = arith.constant 53 : i32
      %broadcast_in_dim3A_532 = vector.broadcast %broadcast_in_dim3A_531 : i32 to vector<16xi32>
      %gather3A_533 = tpu.vector_load_idx %arg6[%broadcast_in_dim3A_532, %get3A_56] : memref<64x1024xf32, #tpu.memory_space<vmem>>[vector<16xi32>, vector<16xi32>], vector<16xf32>,
      %mul3A_534 = arith.constant 16 : i32
      %mul3A_535 = arith.muli %scan3A_53, %mul3A_534 : i32
      %swap3A_536 = arith.constant 53 : i32
      %swap3A_537 = arith.index_cast %swap3A_536 : i32 to index
      %swap3A_538 = arith.index_cast %mul3A_535 : i32 to index
      %swap3A_539 = tpu.vector_load %arg7[%swap3A_537, %swap3A_538] {strides = array<i32>} : memref<64x512xf32, #tpu.memory_space<vmem>>, vector<16xf32>,
      tpu.vector_store %arg7[%swap3A_537, %swap3A_538], %gather3A_533 {strides = array<i32>} : memref<64x512xf32, #tpu.memory_space<vmem>>, vector<16xf32>,
      %broadcast_in_dim3A_540 = arith.constant 54 : i32
      %broadcast_in_dim3A_541 = vector.broadcast %broadcast_in_dim3A_540 : i32 to vector<16xi32>
      %gather3A_542 = tpu.vector_load_idx %arg6[%broadcast_in_dim3A_541, %get3A_56] : memref<64x1024xf32, #tpu.memory_space<vmem>>[vector<16xi32>, vector<16xi32>], vector<16xf32>,
      %mul3A_543 = arith.constant 16 : i32
      %mul3A_544 = arith.muli %scan3A_53, %mul3A_543 : i32
      %swap3A_545 = arith.constant 54 : i32
      %swap3A_546 = arith.index_cast %swap3A_545 : i32 to index
      %swap3A_547 = arith.index_cast %mul3A_544 : i32 to index
      %swap3A_548 = tpu.vector_load %arg7[%swap3A_546, %swap3A_547] {strides = array<i32>} : memref<64x512xf32, #tpu.memory_space<vmem>>, vector<16xf32>,
      tpu.vector_store %arg7[%swap3A_546, %swap3A_547], %gather3A_542 {strides = array<i32>} : memref<64x512xf32, #tpu.memory_space<vmem>>, vector<16xf32>,
      %broadcast_in_dim3A_549 = arith.constant 55 : i32
      %broadcast_in_dim3A_550 = vector.broadcast %broadcast_in_dim3A_549 : i32 to vector<16xi32>
      %gather3A_551 = tpu.vector_load_idx %arg6[%broadcast_in_dim3A_550, %get3A_56] : memref<64x1024xf32, #tpu.memory_space<vmem>>[vector<16xi32>, vector<16xi32>], vector<16xf32>,
      %mul3A_552 = arith.constant 16 : i32
      %mul3A_553 = arith.muli %scan3A_53, %mul3A_552 : i32
      %swap3A_554 = arith.constant 55 : i32
      %swap3A_555 = arith.index_cast %swap3A_554 : i32 to index
      %swap3A_556 = arith.index_cast %mul3A_553 : i32 to index
      %swap3A_557 = tpu.vector_load %arg7[%swap3A_555, %swap3A_556] {strides = array<i32>} : memref<64x512xf32, #tpu.memory_space<vmem>>, vector<16xf32>,
      tpu.vector_store %arg7[%swap3A_555, %swap3A_556], %gather3A_551 {strides = array<i32>} : memref<64x512xf32, #tpu.memory_space<vmem>>, vector<16xf32>,
      %broadcast_in_dim3A_558 = arith.constant 56 : i32
      %broadcast_in_dim3A_559 = vector.broadcast %broadcast_in_dim3A_558 : i32 to vector<16xi32>
      %gather3A_560 = tpu.vector_load_idx %arg6[%broadcast_in_dim3A_559, %get3A_56] : memref<64x1024xf32, #tpu.memory_space<vmem>>[vector<16xi32>, vector<16xi32>], vector<16xf32>,
      %mul3A_561 = arith.constant 16 : i32
      %mul3A_562 = arith.muli %scan3A_53, %mul3A_561 : i32
      %swap3A_563 = arith.constant 56 : i32
      %swap3A_564 = arith.index_cast %swap3A_563 : i32 to index
      %swap3A_565 = arith.index_cast %mul3A_562 : i32 to index
      %swap3A_566 = tpu.vector_load %arg7[%swap3A_564, %swap3A_565] {strides = array<i32>} : memref<64x512xf32, #tpu.memory_space<vmem>>, vector<16xf32>,
      tpu.vector_store %arg7[%swap3A_564, %swap3A_565], %gather3A_560 {strides = array<i32>} : memref<64x512xf32, #tpu.memory_space<vmem>>, vector<16xf32>,
      %broadcast_in_dim3A_567 = arith.constant 57 : i32
      %broadcast_in_dim3A_568 = vector.broadcast %broadcast_in_dim3A_567 : i32 to vector<16xi32>
      %gather3A_569 = tpu.vector_load_idx %arg6[%broadcast_in_dim3A_568, %get3A_56] : memref<64x1024xf32, #tpu.memory_space<vmem>>[vector<16xi32>, vector<16xi32>], vector<16xf32>,
      %mul3A_570 = arith.constant 16 : i32
      %mul3A_571 = arith.muli %scan3A_53, %mul3A_570 : i32
      %swap3A_572 = arith.constant 57 : i32
      %swap3A_573 = arith.index_cast %swap3A_572 : i32 to index
      %swap3A_574 = arith.index_cast %mul3A_571 : i32 to index
      %swap3A_575 = tpu.vector_load %arg7[%swap3A_573, %swap3A_574] {strides = array<i32>} : memref<64x512xf32, #tpu.memory_space<vmem>>, vector<16xf32>,
      tpu.vector_store %arg7[%swap3A_573, %swap3A_574], %gather3A_569 {strides = array<i32>} : memref<64x512xf32, #tpu.memory_space<vmem>>, vector<16xf32>,
      %broadcast_in_dim3A_576 = arith.constant 58 : i32
      %broadcast_in_dim3A_577 = vector.broadcast %broadcast_in_dim3A_576 : i32 to vector<16xi32>
      %gather3A_578 = tpu.vector_load_idx %arg6[%broadcast_in_dim3A_577, %get3A_56] : memref<64x1024xf32, #tpu.memory_space<vmem>>[vector<16xi32>, vector<16xi32>], vector<16xf32>,
      %mul3A_579 = arith.constant 16 : i32
      %mul3A_580 = arith.muli %scan3A_53, %mul3A_579 : i32
      %swap3A_581 = arith.constant 58 : i32
      %swap3A_582 = arith.index_cast %swap3A_581 : i32 to index
      %swap3A_583 = arith.index_cast %mul3A_580 : i32 to index
      %swap3A_584 = tpu.vector_load %arg7[%swap3A_582, %swap3A_583] {strides = array<i32>} : memref<64x512xf32, #tpu.memory_space<vmem>>, vector<16xf32>,
      tpu.vector_store %arg7[%swap3A_582, %swap3A_583], %gather3A_578 {strides = array<i32>} : memref<64x512xf32, #tpu.memory_space<vmem>>, vector<16xf32>,
      %broadcast_in_dim3A_585 = arith.constant 59 : i32
      %broadcast_in_dim3A_586 = vector.broadcast %broadcast_in_dim3A_585 : i32 to vector<16xi32>
      %gather3A_587 = tpu.vector_load_idx %arg6[%broadcast_in_dim3A_586, %get3A_56] : memref<64x1024xf32, #tpu.memory_space<vmem>>[vector<16xi32>, vector<16xi32>], vector<16xf32>,
      %mul3A_588 = arith.constant 16 : i32
      %mul3A_589 = arith.muli %scan3A_53, %mul3A_588 : i32
      %swap3A_590 = arith.constant 59 : i32
      %swap3A_591 = arith.index_cast %swap3A_590 : i32 to index
      %swap3A_592 = arith.index_cast %mul3A_589 : i32 to index
      %swap3A_593 = tpu.vector_load %arg7[%swap3A_591, %swap3A_592] {strides = array<i32>} : memref<64x512xf32, #tpu.memory_space<vmem>>, vector<16xf32>,
      tpu.vector_store %arg7[%swap3A_591, %swap3A_592], %gather3A_587 {strides = array<i32>} : memref<64x512xf32, #tpu.memory_space<vmem>>, vector<16xf32>,
      %broadcast_in_dim3A_594 = arith.constant 60 : i32
      %broadcast_in_dim3A_595 = vector.broadcast %broadcast_in_dim3A_594 : i32 to vector<16xi32>
      %gather3A_596 = tpu.vector_load_idx %arg6[%broadcast_in_dim3A_595, %get3A_56] : memref<64x1024xf32, #tpu.memory_space<vmem>>[vector<16xi32>, vector<16xi32>], vector<16xf32>,
      %mul3A_597 = arith.constant 16 : i32
      %mul3A_598 = arith.muli %scan3A_53, %mul3A_597 : i32
      %swap3A_599 = arith.constant 60 : i32
      %swap3A_600 = arith.index_cast %swap3A_599 : i32 to index
      %swap3A_601 = arith.index_cast %mul3A_598 : i32 to index
      %swap3A_602 = tpu.vector_load %arg7[%swap3A_600, %swap3A_601] {strides = array<i32>} : memref<64x512xf32, #tpu.memory_space<vmem>>, vector<16xf32>,
      tpu.vector_store %arg7[%swap3A_600, %swap3A_601], %gather3A_596 {strides = array<i32>} : memref<64x512xf32, #tpu.memory_space<vmem>>, vector<16xf32>,
      %broadcast_in_dim3A_603 = arith.constant 61 : i32
      %broadcast_in_dim3A_604 = vector.broadcast %broadcast_in_dim3A_603 : i32 to vector<16xi32>
      %gather3A_605 = tpu.vector_load_idx %arg6[%broadcast_in_dim3A_604, %get3A_56] : memref<64x1024xf32, #tpu.memory_space<vmem>>[vector<16xi32>, vector<16xi32>], vector<16xf32>,
      %mul3A_606 = arith.constant 16 : i32
      %mul3A_607 = arith.muli %scan3A_53, %mul3A_606 : i32
      %swap3A_608 = arith.constant 61 : i32
      %swap3A_609 = arith.index_cast %swap3A_608 : i32 to index
      %swap3A_610 = arith.index_cast %mul3A_607 : i32 to index
      %swap3A_611 = tpu.vector_load %arg7[%swap3A_609, %swap3A_610] {strides = array<i32>} : memref<64x512xf32, #tpu.memory_space<vmem>>, vector<16xf32>,
      tpu.vector_store %arg7[%swap3A_609, %swap3A_610], %gather3A_605 {strides = array<i32>} : memref<64x512xf32, #tpu.memory_space<vmem>>, vector<16xf32>,
      %broadcast_in_dim3A_612 = arith.constant 62 : i32
      %broadcast_in_dim3A_613 = vector.broadcast %broadcast_in_dim3A_612 : i32 to vector<16xi32>
      %gather3A_614 = tpu.vector_load_idx %arg6[%broadcast_in_dim3A_613, %get3A_56] : memref<64x1024xf32, #tpu.memory_space<vmem>>[vector<16xi32>, vector<16xi32>], vector<16xf32>,
      %mul3A_615 = arith.constant 16 : i32
      %mul3A_616 = arith.muli %scan3A_53, %mul3A_615 : i32
      %swap3A_617 = arith.constant 62 : i32
      %swap3A_618 = arith.index_cast %swap3A_617 : i32 to index
      %swap3A_619 = arith.index_cast %mul3A_616 : i32 to index
      %swap3A_620 = tpu.vector_load %arg7[%swap3A_618, %swap3A_619] {strides = array<i32>} : memref<64x512xf32, #tpu.memory_space<vmem>>, vector<16xf32>,
      tpu.vector_store %arg7[%swap3A_618, %swap3A_619], %gather3A_614 {strides = array<i32>} : memref<64x512xf32, #tpu.memory_space<vmem>>, vector<16xf32>,
      %broadcast_in_dim3A_621 = arith.constant 63 : i32
      %broadcast_in_dim3A_622 = vector.broadcast %broadcast_in_dim3A_621 : i32 to vector<16xi32>
      %gather3A_623 = tpu.vector_load_idx %arg6[%broadcast_in_dim3A_622, %get3A_56] : memref<64x1024xf32, #tpu.memory_space<vmem>>[vector<16xi32>, vector<16xi32>], vector<16xf32>,
      %mul3A_624 = arith.constant 16 : i32
      %mul3A_625 = arith.muli %scan3A_53, %mul3A_624 : i32
      %swap3A_626 = arith.constant 63 : i32
      %swap3A_627 = arith.index_cast %swap3A_626 : i32 to index
      %swap3A_628 = arith.index_cast %mul3A_625 : i32 to index
      %swap3A_629 = tpu.vector_load %arg7[%swap3A_627, %swap3A_628] {strides = array<i32>} : memref<64x512xf32, #tpu.memory_space<vmem>>, vector<16xf32>,
      tpu.vector_store %arg7[%swap3A_627, %swap3A_628], %gather3A_623 {strides = array<i32>} : memref<64x512xf32, #tpu.memory_space<vmem>>, vector<16xf32>,
    }
    %scan3A_40 = arith.constant 32 : i32
    %dma_start3A_41 = arith.constant 0 : i32
    %dma_start3A_42 = tpu.memref_slice %arg4[%select_n3A, %dma_start3A_41, %mul3A_34] : memref<16x64x1024xf32, #tpu.memory_space<hbm>> -> memref<1x64x512xf32, #tpu.memory_space<hbm>>
    %dma_start3A_43 = tpu.memref_squeeze %dma_start3A_42 : memref<1x64x512xf32, #tpu.memory_space<hbm>> -> memref<64x512xf32, #tpu.memory_space<hbm>>
    %dma_start3A_44 = arith.constant 0 : i32
    %dma_start3A_45 = tpu.memref_slice %arg4[%select_n3A, %dma_start3A_44, %mul3A_34] : memref<16x64x1024xf32, #tpu.memory_space<hbm>> -> memref<1x64x512xf32, #tpu.memory_space<hbm>>
    %dma_start3A_46 = tpu.memref_squeeze %dma_start3A_45 : memref<1x64x512xf32, #tpu.memory_space<hbm>> -> memref<64x512xf32, #tpu.memory_space<hbm>>
    tpu.enqueue_dma source(%arg7 : memref<64x512xf32, #tpu.memory_space<vmem>>) target(%dma_start3A_46 : memref<64x512xf32, #tpu.memory_space<hbm>>) target_semaphore(%arg8 : memref<!tpu.dma_semaphore, #tpu.memory_space<semaphore_mem>>)
    %dma_wait3A_47 = arith.constant 0 : i32
    %dma_wait3A_48 = tpu.memref_slice %arg4[%select_n3A, %dma_wait3A_47, %mul3A_34] : memref<16x64x1024xf32, #tpu.memory_space<hbm>> -> memref<1x64x512xf32, #tpu.memory_space<hbm>>
    %dma_wait3A_49 = tpu.memref_squeeze %dma_wait3A_48 : memref<1x64x512xf32, #tpu.memory_space<hbm>> -> memref<64x512xf32, #tpu.memory_space<hbm>>
    %dma_wait3A_50 = arith.constant 0 : i32
    %dma_wait3A_51 = tpu.memref_slice %arg4[%select_n3A, %dma_wait3A_50, %mul3A_34] : memref<16x64x1024xf32, #tpu.memory_space<hbm>> -> memref<1x64x512xf32, #tpu.memory_space<hbm>>
    %dma_wait3A_52 = tpu.memref_squeeze %dma_wait3A_51 : memref<1x64x512xf32, #tpu.memory_space<hbm>> -> memref<64x512xf32, #tpu.memory_space<hbm>>
    tpu.wait_dma2 semaphore(%arg8 : memref<!tpu.dma_semaphore, #tpu.memory_space<semaphore_mem>>) src(%arg7 : memref<64x512xf32, #tpu.memory_space<vmem>>) dst(%dma_wait3A_52 : memref<64x512xf32, #tpu.memory_space<hbm>>)
    return
  }
}

module attributes {stable_mosaic.version = 14 : i64} {
  func.func @_argmin_block_kernel(%arg0: i32, %arg1: memref<1x64x1024xf32, #tpu.memory_space<vmem>>, %arg2: memref<1024x64xf32, #tpu.memory_space<vmem>>, %arg3: memref<1024x1xf32, #tpu.memory_space<vmem>>, %arg4: memref<16x1024xi32, #tpu.memory_space<vmem>>) attributes {dimension_semantics = [#tpu.dimension_semantics<arbitrary>], iteration_bounds = array<i64: 16>, scalar_prefetch = 0 : i64, scratch_operands = 0 : i64, tpu.core_type = #tpu.core_type<tc>, window_params = [{transform_indices = @transform_0, window_bounds = array<i64: 1, 64, 1024>}, {pipeline_mode = #tpu.pipeline_mode<synchronous>, transform_indices = @transform_1, window_bounds = array<i64: 1024, 64>}, {pipeline_mode = #tpu.pipeline_mode<synchronous>, transform_indices = @transform_2, window_bounds = array<i64: 1024, 1>}, {pipeline_mode = #tpu.pipeline_mode<synchronous>, transform_indices = @transform_3, window_bounds = array<i64: 16, 1024>}]} {
    %get3A = arith.constant 0 : index
    %get3A_0 = arith.constant 0 : index
    %get3A_1 = arith.constant 0 : index
    %get3A_2 = vector.load %arg1[%get3A, %get3A_0, %get3A_1] : memref<1x64x1024xf32, #tpu.memory_space<vmem>>, vector<1x64x1024xf32>
    %get3A_3 = vector.shape_cast %get3A_2 : vector<1x64x1024xf32> to vector<64x1024xf32>
    %get3A_4 = arith.constant 0 : index
    %get3A_5 = arith.constant 0 : index
    %get3A_6 = vector.load %arg2[%get3A_4, %get3A_5] : memref<1024x64xf32, #tpu.memory_space<vmem>>, vector<1024x64xf32>
    %dot_general3A = arith.constant dense<0.000000e+00> : vector<1024x1024xf32>
    %dot_general3A_7 = tpu.matmul %get3A_6, %get3A_3, %dot_general3A {dimension_numbers = #tpu.dot_dimension_numbers<[1], [0], [0], [1], [0, 0, 1, 1], [], []>, transpose_lhs_hint = false} : vector<1024x64xf32>, vector<64x1024xf32>, vector<1024x1024xf32> -> vector<1024x1024xf32>
    %mul3A = arith.mulf %get3A_3, %get3A_3 : vector<64x1024xf32>
    %reduce_sum3A = arith.constant dense<0.000000e+00> : vector<1024xf32>
    %reduce_sum3A_8 = vector.multi_reduction <add>, %mul3A, %reduce_sum3A [0] : vector<64x1024xf32> to vector<1024xf32>
    %broadcast_in_dim3A = vector.shape_cast %reduce_sum3A_8 : vector<1024xf32> to vector<1x1024xf32>
    %sub3A = vector.broadcast %broadcast_in_dim3A : vector<1x1024xf32> to vector<1024x1024xf32>
    %sub3A_9 = arith.subf %sub3A, %dot_general3A_7 : vector<1024x1024xf32>
    %get3A_10 = arith.constant 0 : index
    %get3A_11 = arith.constant 0 : index
    %get3A_12 = vector.load %arg3[%get3A_10, %get3A_11] : memref<1024x1xf32, #tpu.memory_space<vmem>>, vector<1024x1xf32>
    %add3A = vector.broadcast %get3A_12 : vector<1024x1xf32> to vector<1024x1024xf32>
    %add3A_13 = arith.addf %sub3A_9, %add3A : vector<1024x1024xf32>
    %reduce_min3A = arith.constant dense<0x7F800000> : vector<1024xf32>
    %reduce_min3A_14 = vector.multi_reduction <minimumf>, %add3A_13, %reduce_min3A [0] : vector<1024x1024xf32> to vector<1024xf32>
    %broadcast_in_dim3A_15 = vector.shape_cast %reduce_min3A_14 : vector<1024xf32> to vector<1x1024xf32>
    %iota3A = tpu.iota {dimensions = array<i32: 0>} : vector<1024x1024xi32>
    %eq3A = vector.broadcast %broadcast_in_dim3A_15 : vector<1x1024xf32> to vector<1024x1024xf32>
    %eq3A_16 = arith.cmpf oeq, %add3A_13, %eq3A : vector<1024x1024xf32>
    %jit3A = arith.constant 1024 : i32
    %broadcast_in_dim3A_17 = vector.broadcast %jit3A : i32 to vector<1024x1024xi32>
    %select_n3A = arith.select %eq3A_16, %iota3A, %broadcast_in_dim3A_17 : vector<1024x1024xi1>, vector<1024x1024xi32>
    %reduce_min3A_18 = arith.constant dense<2147483647> : vector<1024xi32>
    %reduce_min3A_19 = vector.multi_reduction <minsi>, %select_n3A, %reduce_min3A_18 [0] : vector<1024x1024xi32> to vector<1024xi32>
    %broadcast_in_dim3A_20 = vector.shape_cast %reduce_min3A_19 : vector<1024xi32> to vector<1x1024xi32>
    %swap3A = arith.index_cast %arg0 : i32 to index
    %swap3A_21 = arith.constant 0 : index
    %swap3A_22 = vector.load %arg4[%swap3A, %swap3A_21] : memref<16x1024xi32, #tpu.memory_space<vmem>>, vector<1x1024xi32>
    tpu.vector_store %arg4[%swap3A, %swap3A_21], %broadcast_in_dim3A_20 {strides = array<i32>} : memref<16x1024xi32, #tpu.memory_space<vmem>>, vector<1x1024xi32>,
    return
  }
  func.func @transform_0(%arg0: i32) -> (i32, i32, i32) {
    %c0_i32 = arith.constant 0 : i32
    %c0_i32_0 = arith.constant 0 : i32
    %c0_i32_1 = arith.constant 0 : i32
    return %arg0, %c0_i32, %c0_i32_0 : i32, i32, i32
  }
  func.func @transform_1(%arg0: i32) -> (i32, i32) {
    %c0_i32 = arith.constant 0 : i32
    %c0_i32_0 = arith.constant 0 : i32
    %c0_i32_1 = arith.constant 0 : i32
    return %c0_i32, %c0_i32_0 : i32, i32
  }
  func.func @transform_2(%arg0: i32) -> (i32, i32) {
    %c0_i32 = arith.constant 0 : i32
    %c0_i32_0 = arith.constant 0 : i32
    %c0_i32_1 = arith.constant 0 : i32
    return %c0_i32, %c0_i32_0 : i32, i32
  }
  func.func @transform_3(%arg0: i32) -> (i32, i32) {
    %c0_i32 = arith.constant 0 : i32
    %c0_i32_0 = arith.constant 0 : i32
    %c0_i32_1 = arith.constant 0 : i32
    return %c0_i32, %c0_i32_0 : i32, i32
  }
}

</mosaic_0001>

<sc_bundles>
// kernel: kernel.4.cloned.1.call-start
scs
__scs_entry_jumppad:
0x0: {  	(pc) =	sbr.rel $0x88, $3  }
0x1: {  	(tag) =	ssettag $0x0;
	lr =	simm.s32 $0x1  }
0x2: {  	[smem:$0x3F9F] =	sst lr;
	_ =	strace $0xD0000000  }
0x3: {  	_ = 	snop  }
0x4: {  	_ = 	snop  }
0x5: {  	_ = 	snop  }
0x6: {  	_ = 	snop  }
0x7: {  	_ = 	snop  }
__scs_overlays_trampoline_lowered:
0x8: {  	[smem:$0x3FAE] =	sst s0  }
0x9: {  	[smem:$0x3FAF] =	sst s1  }
0xa: {  	[smem:$0x3FB0] =	sst s2  }
0xb: {  	[smem:$0x3FB1] =	sst s3  }
0xc: {  	[smem:$0x3FB2] =	sst s4  }
0xd: {  	[smem:$0x3FB3] =	sst s5  }
0xe: {  	[smem:$0x3FB4] =	sst s6  }
0xf: {  	[smem:$0x3FB5] =	sst s7  }
0x10: {  	[smem:$0x3FB6] =	sst s8  }
0x11: {  	[smem:$0x3FB7] =	sst s9;
	s0 =	simm.s32 @!p0 $0x0  }
0x12: {  	s1 =	sld [smem:$0x3F9D];
	s0 =	simm.s32 @p0 $0x1  }
0x13: {  	[smem:$0x3FB8] =	sst s0;
	s0 =	simm.s32 @!p1 $0x0  }
0x14: {  	s2 =	sld [smem:$0x3F9C];
	s0 =	simm.s32 @p1 $0x1  }
0x15: {  	[smem:$0x3FB9] =	sst s0;
	s0 =	simm.s32 @!p2 $0x0  }
0x16: {  	s3 =	sld [smem:$0x3FDB];
	s0 =	simm.s32 @p2 $0x1  }
0x17: {  	s4 =	simm.s32 $0x1BF5;
	[smem:$0x3FBB] =	sst s0  }
0x18: {  	s0 =	sld [smem:$0x3F9E];
	_ =	swait.ge [sflag:s4], $0x0  }
0x19: {  	s7 =	sld [smem:$0x3F9F]  }
0x1a: {  	s8 =	sadd.s32 $0xFFFFE003, lr  }
0x1b: {  	s9 =	sadd.s32 $0xFFFFFEF7, lr;
	s5 =	simm.s32 $0xFFFFFFFF;
	p2 =	slt.u32 s8, $0xFFFFF086  }
0x1c: {  	p1 =	slt.u32 s9, $0xF7A;
	s5 =	simm.s32 @!p2 $0x0  }
0x1d: {  	s5 =	simm.s32 @p1 $0x1;
	p0 =	seq.s32 s7, s2  }
0x1e: {  	s7 =	smul.u32 @!p0 $0xF7A, s2;
	p2 =	seq.s32 @!p0 s5, $0x0  }
0x1f: {  	s9 =	smul.u32 $0xF7A, s1;
	s8 =	simm.s32 @!p0 $0x1BF5;
	p2 =	por !p2, p0  }
0x20: {  	[sflag:s8] =	ssyncset.s32 @!p0 $0xFFFFF086;
	s6 =	sadd.s32 @!p0 s3, s7;
	s7 =	simm.s32 @!p0 $0x108  }
0x21: {  	s3 =	sadd.s32 s3, s9;
	s6 =	sadd.s32 @!p0 $0x88, s6;
	s7 =	simm.s32 @p2 $0x1082  }
0x22: {  	[simem:s7], [sflag:s8] =	dma.local @!p0 [hbm:s6], $0xF7A  }
0x23: {  	s9 =	sor.u32 $0xD0000000, s2;
	s6 =	simm.s32 $0x108;
	_ =	swait.ge @!p0 [sflag:s8], $0x0  }
0x24: {  	s3 =	sadd.s32 $0x88, s3;
	s6 =	simm.s32 @!p1 $0x1082;
	[sflag:s4] =	ssyncset.s32 $0xFFFFF086  }
0x25: {  	[simem:s6], [sflag:s4] =	dma.local [hbm:s3], $0xF7A  }
0x26: {  	[smem:$0x3F9F] =	sst s1;
	(tag) =	ssettag s2;
	_ =	strace s9  }
0x27: {  	s1 =	sld [smem:$0x3FAF]  }
0x28: {  	s2 =	sld [smem:$0x3FB0]  }
0x29: {  	s4 =	sld [smem:$0x3FB2]  }
0x2a: {  	p0 =	seq.s32 s5, $0x0;
	s5 =	sld [smem:$0x3FB3]  }
0x2b: {  	s6 =	sld [smem:$0x3FB4]  }
0x2c: {  	s7 =	sld [smem:$0x3FB5]  }
0x2d: {  	s3 =	simm.s32 $0x108;
	s8 =	sld [smem:$0x3FB6]  }
0x2e: {  	s3 =	simm.s32 @!p0 $0x1082;
	s9 =	sld [smem:$0x3FB7]  }
0x2f: {  	lr =	sadd.s32 s0, s3;
	s0 =	sld [smem:$0x3FAE]  }
0x30: {  	s3 =	sld [smem:$0x3FB1]  }
0x31: {  	[smem:$0x3FBA] =	sst s10  }
0x32: {  	s10 =	sld [smem:$0x3FB8];
	_ =	sdelay $0x3  }
0x33: {  	p0 =	seq.s32 s10, $0x1;
	s10 =	sld [smem:$0x3FBA];
	_ =	sdelay $0x3  }
0x34: {  	[smem:$0x3FBA] =	sst s10  }
0x35: {  	s10 =	sld [smem:$0x3FB9];
	_ =	sdelay $0x3  }
0x36: {  	p1 =	seq.s32 s10, $0x1;
	s10 =	sld [smem:$0x3FBA];
	_ =	sdelay $0x3  }
0x37: {  	[smem:$0x3FBA] =	sst s10  }
0x38: {  	s10 =	sld [smem:$0x3FBB]  }
0x39: {  	_ = 	snop;
	(pc) =	sbr.ind lr, $3  }
0x3a: {  	_ = 	snop  }
0x3b: {  	_ = 	snop  }
0x3c: {  	p2 =	seq.s32 s10, $0x1;
	s10 =	sld [smem:$0x3FBA]  }
0x3d: {  	_ =	shalt  }
0x3e: {  	_ =	shalt  }
0x3f: {  	_ =	shalt  }
0x40: {  	_ =	shalt  }
0x41: {  	_ =	shalt  }
0x42: {  	_ =	shalt  }
0x43: {  	_ =	shalt  }
0x44: {  	_ =	shalt  }
0x45: {  	_ =	shalt  }
0x46: {  	_ =	shalt  }
0x47: {  	_ =	shalt  }
0x48: {  	_ =	shalt  }
0x49: {  	_ =	shalt  }
0x4a: {  	_ =	shalt  }
0x4b: {  	_ =	shalt  }
0x4c: {  	_ =	shalt  }
0x4d: {  	_ =	shalt  }
0x4e: {  	_ =	shalt  }
0x4f: {  	_ =	shalt  }
0x50: {  	_ =	shalt  }
0x51: {  	_ =	shalt  }
0x52: {  	_ =	shalt  }
0x53: {  	_ =	shalt  }
0x54: {  	_ =	shalt  }
0x55: {  	_ =	shalt  }
0x56: {  	_ =	shalt  }
0x57: {  	_ =	shalt  }
0x58: {  	_ =	shalt  }
0x59: {  	_ =	shalt  }
0x5a: {  	_ =	shalt  }
0x5b: {  	_ =	shalt  }
0x5c: {  	_ =	shalt  }
0x5d: {  	_ =	shalt  }
0x5e: {  	_ =	shalt  }
0x5f: {  	_ =	shalt  }
0x60: {  	_ =	shalt  }
0x61: {  	_ =	shalt  }
0x62: {  	_ =	shalt  }
0x63: {  	_ =	shalt  }
0x64: {  	_ =	shalt  }
0x65: {  	_ =	shalt  }
0x66: {  	_ =	shalt  }
0x67: {  	_ =	shalt  }
0x68: {  	_ =	shalt  }
0x69: {  	_ =	shalt  }
0x6a: {  	_ =	shalt  }
0x6b: {  	_ =	shalt  }
0x6c: {  	_ =	shalt  }
0x6d: {  	_ =	shalt  }
0x6e: {  	_ =	shalt  }
0x6f: {  	_ =	shalt  }
0x70: {  	_ =	shalt  }
0x71: {  	_ =	shalt  }
0x72: {  	_ =	shalt  }
0x73: {  	_ =	shalt  }
0x74: {  	_ =	shalt  }
0x75: {  	_ =	shalt  }
0x76: {  	_ =	shalt  }
0x77: {  	_ =	shalt  }
0x78: {  	_ =	shalt  }
0x79: {  	_ =	shalt  }
0x7a: {  	_ =	shalt  }
0x7b: {  	_ =	shalt  }
0x7c: {  	_ =	shalt  }
0x7d: {  	_ =	shalt  }
0x7e: {  	_ =	shalt  }
0x7f: {  	_ =	shalt  }
0x80: {  	_ =	shalt  }
0x81: {  	_ =	shalt  }
0x82: {  	_ =	shalt  }
0x83: {  	_ =	shalt  }
0x84: {  	_ =	shalt  }
0x85: {  	_ =	shalt  }
0x86: {  	_ =	shalt  }
0x87: {  	_ =	shalt  }
.Lfunc_end0:
.L_simem_size_0:
called_computation_lowered:
.L_overlay_start_0:
0x88: {  	s2 =	sld [smem:$0x3FD9]  }
0x89: {  	s3 =	sld [smem:$0x3FFE];
	_ =	sdelay $0x1  }
0x8a: {  	s1 =	srdreg.scid  }
0x8b: {  	s0 =	sand.u32 $0x1, s1  }
0x8c: {  	s14 =	sshll.u32 s0, $0xA;
	s2 =	sadd.s32 s3, s2  }
0x8d: {  	s2 =	sadd.s32 s2, s14  }
0x8e: {  	[smem:$0x3FC6] =	sst s2  }
0x8f: {  	_ = 	snop  }
0x90: {  	s2 =	sld [smem:$0x3FD0];
	_ =	sdelay $0x2  }
0x91: {  	s15 =	simm.s32 $0xA;
	s4 =	simm.s32 $0x10  }
0x92: {  	[smem:s4], [sflag:s15] =	dma.local [hbm:s2], $0x1  }
0x93: {  	_ =	swait.eq [sflag:s15], $0x1  }
0x94: {  	[sflag:s15] =	ssyncset.done $0x0  }
0x95: {  	s16 =	sld [smem:$0x10];
	[sflag:s15] =	ssyncadd.s32 $0xFFFFFFFF  }
0x96: {  	s17 =	sld [smem:$0x11];
	(tm) =	ssettm $0x1  }
0x97: {  	s18 =	sld [smem:$0x3FFB];
	_ =	sdelay $0x3  }
0x98: {  	_ =	strace s18  }
0x99: {  	s4 =	sld [smem:$0x3FFC];
	_ =	sdelay $0x3  }
0x9a: {  	_ =	strace s4  }
0x9b: {  	s4 =	sld [smem:$0x3FFD];
	_ =	sdelay $0x3  }
0x9c: {  	_ =	strace s4  }
0x9d: {  	_ =	strace $0x8FFFFFFF  }
0x9e: {  	s19 =	sld [smem:$0x3FDB];
	_ =	sdelay $0x1  }
0x9f: {  	s5 =	simm.s32 $_scs_section_size  }
0xa0: {  	s6 =	simm.s32 $_size__tile_overlayer_lowered;
	s7 =	simm.s32 $_tile_overlayer_lowered  }
0xa1: {  	s22 =	simm.s32 $0x1BFF;
	s21 =	sshll.u32 s7, $0x1;
	s4 =	sadd.s32 s5, s19  }
0xa2: {  	s8 =	simm.s32 $0x0;
	s20 =	sshll.u32 s6, $0x1;
	s6 =	sadd.s32 s21, s4  }
0xa3: {  	[timem:s8], [sflag:s22] =	dma.local [hbm:s6], s20  }
0xa4: {  	_ =	swait.ge [sflag:s22], s20  }
0xa5: {  	s5 =	ssub.s32 $0x0, s20;
	[sflag:s22] =	ssyncset.done $0x0  }
0xa6: {  	[sflag:s22] =	ssyncadd.s32 s5;
	_ =	sdelay $0x1  }
0xa7: {  	s23 =	simm.s32 $0x1B8B  }
0xa8: {  	_ =	swait.ge [sflag:s23], $0x1  }
0xa9: {  	[sflag:s23] =	ssyncset.done $0x0  }
0xaa: {  	s25 =	simm.s32 $0x1B8E;
	s24 =	sld [smem:$0x3FFE];
	[sflag:s23] =	ssyncadd.s32 $0xFFFFFFFF  }
0xab: {  	s26 =	simm.s32 $execute0_lowered;
	[smem:$0x3FD2] =	sst s25  }
0xac: {  	s6 =	sshll.u32 s26, $0x1;
	_ =	strace $0x80000046;
	[dreg:$0x1] =	wrdreg $0xFFFFFFFF  }
0xad: {  	s28 =	simm.s32 $_size_execute0_lowered;
	s4 =	sadd.s32 s4, s6;
	[dreg:$0x0] =	wrdreg $0x0  }
0xae: {  	s6 =	sshll.u32 s28, $0x1;
	[dreg:$0x2] =	wrdreg s4  }
0xaf: {  	[dreg:$0x3] =	wrdreg s6  }
0xb0: {  	[dreg:$0x4] =	wrdreg $0xC0  }
0xb1: {  	_ =	task [dreg:s8], $0x5FFFF  }
0xb2: {  	[dreg:$0x1] =	wrdreg $0xFFFFFFFF  }
0xb3: {  	[dreg:$0x0] =	wrdreg $0x60  }
0xb4: {  	[dreg:$0x2] =	wrdreg s16  }
0xb5: {  	[dreg:$0x3] =	wrdreg s24  }
0xb6: {  	[dreg:$0x4] =	wrdreg s17  }
0xb7: {  	[dreg:$0x5] =	wrdreg $0x9  }
0xb8: {  	_ =	task.clear_ibuf [dreg:s8], $0x6FFFF;
	_ =	strace $0x90000046  }
0xb9: {  	s29 =	simm.s32 $0x9;
	_ =	strace $0x80000048  }
0xba: {  	_ =	swait.ge [sflag:s29], $0x1  }
0xbb: {  	[sflag:s29] =	ssyncadd.s32 $0xFFFFFFFF  }
0xbc: {  	_ =	strace $0x90000048  }
0xbd: {  	_ =	sfence  }
0xbe: {  	s30 =	sld [smem:$0x0];
	_ =	sdelay $0x2  }
0xbf: {  	s31 =	sshll.u32 s1, $0xD;
	s1 =	sshrl.u32 s1, $0x2  }
0xc0: {  	s3 =	sand.u32 $0x4000, s31;
	s1 =	sadd.s32 s1, s30  }
0xc1: {  	s0 =	sor.u32 s3, s0;
	s1 =	sshll.u32 s1, $0x11  }
0xc2: {  	s0 =	sor.u32 s1, s0  }
0xc3: {  	s0 =	sadd.s32 $0x8F2B, s0  }
0xc4: {  	[sflag:s0] =	ssyncadd.remote.s32 $0x1  }
0xc5: {  	_ =	sfence.sel $0xFFFF  }
0xc6: {  	[dreg:$0x0] =	wrdreg $0xFFFFFFFF;
	(pc) =	sbr.abs _section_cstart, $3  }
0xc7: {  	[dreg:$0x1] =	wrdreg $0xFFFFFFFF  }
0xc8: {  	_ =	task.clear_ibuf [dreg:s8], $0x2FFFF;
	_ =	strace $0x9FFFFFFF  }
0xc9: {  	(tm) =	ssettm $0x7FFFFFFF  }
tec
execute0_lowered:
.L_overlay_start_1:
0x0: {  	(tag) =	ssettag $0x1  }
0x1: {  	s2 =	srdreg.scid  }
0x2: {  	s0 =	stileid.u32;
	s1 =	rddreg [dreg:$0x0]  }
0x3: {  	s5 =	rddreg [dreg:$0x1];
	s4 =	sand.u32 $0x1, s2;
	s30 =	sshll.u32 s0, $0x1  }
0x4: {  	s7 =	rddreg [dreg:$0x2];
	s3 =	simm.s32 $0x0;
	s6 =	sor.u32 s4, s30  }
0x5: {  	s8 =	simm.s32 $0x1;
	p1 =	seq.s32 s4, $0x1;
	p0 =	seq.s32 s6, $0x0  }
0x6: {  	s11 =	simm.s32 $0x0;
	[smem:$0x7FF] =	sst s3;
	p0 =	por !p0, !p1  }
0x7: {  	s2 =	rddreg [dreg:$0x3];
	_ =	strace $0x80000047;
	p0 =	por !p0, !p0  }
0x8: {  	s9 =	ssub.s32 $0x2, s4;
	s4 =	sshll.u32 s4, $0x9;
	s8 =	simm.s32 @!p0 $0x0  }
0x9: {  	s6 =	sshll.u32 s6, $0x6;
	s10 =	sshrl.u32 s9, $0x1;
	s8 =	ssub.s32 s0, s8  }
0xa: {  	s5 =	sadd.s32 s6, s5;
	s9 =	ssub.s32 s9, s10;
	s8 =	sshll.u32 s8, $0x10  }
0xb: {  	s10 =	simm.s32 $0x10200;
	s5 =	sadd.s32 $0x400, s5;
	s31 =	sor.u32 s4, s8  }
0xc: {  	s4 =	simm.s32 $0x1;
	s8 =	simm.s32 $0x200;
	s6 =	sshrl.u32 s31, $0x3  }
0xd: {  	s6 =	sadd.s32 s7, s6;
	s7 =	smax.u32 s9, $0x1;
	s9 =	simm.s32 $0x400  }
.LBB2_1:
0xe: {  	[tilespmem:s3], [sflag:$0x1] =	stream.linear.gather [hbm4b:s5+s3], $0x200, $0x38;
	[tilespmem:$0x18200] =	vst v63  }
0xf: {  	_ = 	snop  }
0x10: {  	[tilespmem:s8], [sflag:$0x1] =	stream.linear.gather [hbm4b:s1+s3], $0x10000, $0x38;
	[tilespmem:$0x18200] =	vst v63  }
0x11: {  	_ =	swait.ge [sflag:s4], $0x200  }
0x12: {  	[sflag:s4] =	ssyncset.done $0x0  }
0x13: {  	[sflag:s4] =	ssyncadd.s32 $0xFFFFFE00  }
0x14: {  	_ =	swait.ge [sflag:s4], $0x10000  }
0x15: {  	[sflag:s4] =	ssyncset.done $0x0  }
0x16: {  	s12 =	simm.s32 $0x0;
	[sflag:s4] =	ssyncadd.s32 $0xFFFF0000  }
0x17: {  	v0 =	vld [tilespmem:s12+$0x0];
	_ =	sdelay $0x7  }
0x18: {  	v1 =	vld.idx.msk [tilespmem:v0+s8+$0x0], $0xffff  }
0x19: {  	v2 =	vadd.s32 $0x400, v0;
	_ =	sdelay $0x3  }
0x1a: {  	[tilespmem:s12+$0x10200] =	vst v1  }
0x1b: {  	v1 =	vld.idx.msk [tilespmem:v2+s8+$0x0], $0xffff  }
0x1c: {  	v2 =	vadd.s32 $0x800, v0;
	_ =	sdelay $0x3  }
0x1d: {  	[tilespmem:s12+$0x10400] =	vst v1  }
0x1e: {  	v1 =	vld.idx.msk [tilespmem:v2+s8+$0x0], $0xffff  }
0x1f: {  	v2 =	vadd.s32 $0xC00, v0;
	_ =	sdelay $0x3  }
0x20: {  	[tilespmem:s12+$0x10600] =	vst v1  }
0x21: {  	v1 =	vld.idx.msk [tilespmem:v2+s8+$0x0], $0xffff  }
0x22: {  	v2 =	vadd.s32 $0x1000, v0;
	_ =	sdelay $0x3  }
0x23: {  	[tilespmem:s12+$0x10800] =	vst v1  }
0x24: {  	v1 =	vld.idx.msk [tilespmem:v2+s8+$0x0], $0xffff  }
0x25: {  	v2 =	vadd.s32 $0x1400, v0;
	_ =	sdelay $0x3  }
0x26: {  	[tilespmem:s12+$0x10A00] =	vst v1  }
0x27: {  	v1 =	vld.idx.msk [tilespmem:v2+s8+$0x0], $0xffff  }
0x28: {  	v2 =	vadd.s32 $0x1800, v0;
	_ =	sdelay $0x3  }
0x29: {  	[tilespmem:s12+$0x10C00] =	vst v1  }
0x2a: {  	v1 =	vld.idx.msk [tilespmem:v2+s8+$0x0], $0xffff  }
0x2b: {  	v2 =	vadd.s32 $0x1C00, v0;
	_ =	sdelay $0x3  }
0x2c: {  	[tilespmem:s12+$0x10E00] =	vst v1  }
0x2d: {  	v1 =	vld.idx.msk [tilespmem:v2+s8+$0x0], $0xffff  }
0x2e: {  	v2 =	vadd.s32 $0x2000, v0;
	_ =	sdelay $0x3  }
0x2f: {  	[tilespmem:s12+$0x11000] =	vst v1  }
0x30: {  	v1 =	vld.idx.msk [tilespmem:v2+s8+$0x0], $0xffff  }
0x31: {  	v2 =	vadd.s32 $0x2400, v0;
	_ =	sdelay $0x3  }
0x32: {  	[tilespmem:s12+$0x11200] =	vst v1  }
0x33: {  	v1 =	vld.idx.msk [tilespmem:v2+s8+$0x0], $0xffff  }
0x34: {  	v2 =	vadd.s32 $0x2800, v0;
	_ =	sdelay $0x3  }
0x35: {  	[tilespmem:s12+$0x11400] =	vst v1  }
0x36: {  	v1 =	vld.idx.msk [tilespmem:v2+s8+$0x0], $0xffff  }
0x37: {  	v2 =	vadd.s32 $0x2C00, v0;
	_ =	sdelay $0x3  }
0x38: {  	[tilespmem:s12+$0x11600] =	vst v1  }
0x39: {  	v1 =	vld.idx.msk [tilespmem:v2+s8+$0x0], $0xffff  }
0x3a: {  	v2 =	vadd.s32 $0x3000, v0;
	_ =	sdelay $0x3  }
0x3b: {  	[tilespmem:s12+$0x11800] =	vst v1  }
0x3c: {  	v1 =	vld.idx.msk [tilespmem:v2+s8+$0x0], $0xffff  }
0x3d: {  	v2 =	vadd.s32 $0x3400, v0;
	_ =	sdelay $0x3  }
0x3e: {  	[tilespmem:s12+$0x11A00] =	vst v1  }
0x3f: {  	v1 =	vld.idx.msk [tilespmem:v2+s8+$0x0], $0xffff  }
0x40: {  	v2 =	vadd.s32 $0x3800, v0;
	_ =	sdelay $0x3  }
0x41: {  	[tilespmem:s12+$0x11C00] =	vst v1  }
0x42: {  	v1 =	vld.idx.msk [tilespmem:v2+s8+$0x0], $0xffff  }
0x43: {  	v2 =	vadd.s32 $0x3C00, v0;
	_ =	sdelay $0x3  }
0x44: {  	[tilespmem:s12+$0x11E00] =	vst v1  }
0x45: {  	v1 =	vld.idx.msk [tilespmem:v2+s8+$0x0], $0xffff  }
0x46: {  	v2 =	vadd.s32 $0x4000, v0;
	_ =	sdelay $0x3  }
0x47: {  	[tilespmem:s12+$0x12000] =	vst v1  }
0x48: {  	v1 =	vld.idx.msk [tilespmem:v2+s8+$0x0], $0xffff  }
0x49: {  	v2 =	vadd.s32 $0x4400, v0;
	_ =	sdelay $0x3  }
0x4a: {  	[tilespmem:s12+$0x12200] =	vst v1  }
0x4b: {  	v1 =	vld.idx.msk [tilespmem:v2+s8+$0x0], $0xffff  }
0x4c: {  	v2 =	vadd.s32 $0x4800, v0;
	_ =	sdelay $0x3  }
0x4d: {  	[tilespmem:s12+$0x12400] =	vst v1  }
0x4e: {  	v1 =	vld.idx.msk [tilespmem:v2+s8+$0x0], $0xffff  }
0x4f: {  	v2 =	vadd.s32 $0x4C00, v0;
	_ =	sdelay $0x3  }
0x50: {  	[tilespmem:s12+$0x12600] =	vst v1  }
0x51: {  	v1 =	vld.idx.msk [tilespmem:v2+s8+$0x0], $0xffff  }
0x52: {  	v2 =	vadd.s32 $0x5000, v0;
	_ =	sdelay $0x3  }
0x53: {  	[tilespmem:s12+$0x12800] =	vst v1  }
0x54: {  	v1 =	vld.idx.msk [tilespmem:v2+s8+$0x0], $0xffff  }
0x55: {  	v2 =	vadd.s32 $0x5400, v0;
	_ =	sdelay $0x3  }
0x56: {  	[tilespmem:s12+$0x12A00] =	vst v1  }
0x57: {  	v1 =	vld.idx.msk [tilespmem:v2+s8+$0x0], $0xffff  }
0x58: {  	v2 =	vadd.s32 $0x5800, v0;
	_ =	sdelay $0x3  }
0x59: {  	[tilespmem:s12+$0x12C00] =	vst v1  }
0x5a: {  	v1 =	vld.idx.msk [tilespmem:v2+s8+$0x0], $0xffff  }
0x5b: {  	v2 =	vadd.s32 $0x5C00, v0;
	_ =	sdelay $0x3  }
0x5c: {  	[tilespmem:s12+$0x12E00] =	vst v1  }
0x5d: {  	v1 =	vld.idx.msk [tilespmem:v2+s8+$0x0], $0xffff  }
0x5e: {  	v2 =	vadd.s32 $0x6000, v0;
	_ =	sdelay $0x3  }
0x5f: {  	[tilespmem:s12+$0x13000] =	vst v1  }
0x60: {  	v1 =	vld.idx.msk [tilespmem:v2+s8+$0x0], $0xffff  }
0x61: {  	v2 =	vadd.s32 $0x6400, v0;
	_ =	sdelay $0x3  }
0x62: {  	[tilespmem:s12+$0x13200] =	vst v1  }
0x63: {  	v1 =	vld.idx.msk [tilespmem:v2+s8+$0x0], $0xffff  }
0x64: {  	v2 =	vadd.s32 $0x6800, v0;
	_ =	sdelay $0x3  }
0x65: {  	[tilespmem:s12+$0x13400] =	vst v1  }
0x66: {  	v1 =	vld.idx.msk [tilespmem:v2+s8+$0x0], $0xffff  }
0x67: {  	v2 =	vadd.s32 $0x6C00, v0;
	_ =	sdelay $0x3  }
0x68: {  	[tilespmem:s12+$0x13600] =	vst v1  }
0x69: {  	v1 =	vld.idx.msk [tilespmem:v2+s8+$0x0], $0xffff  }
0x6a: {  	v2 =	vadd.s32 $0x7000, v0;
	_ =	sdelay $0x3  }
0x6b: {  	[tilespmem:s12+$0x13800] =	vst v1  }
0x6c: {  	v1 =	vld.idx.msk [tilespmem:v2+s8+$0x0], $0xffff  }
0x6d: {  	v2 =	vadd.s32 $0x7400, v0;
	_ =	sdelay $0x3  }
0x6e: {  	[tilespmem:s12+$0x13A00] =	vst v1  }
0x6f: {  	v1 =	vld.idx.msk [tilespmem:v2+s8+$0x0], $0xffff  }
0x70: {  	v2 =	vadd.s32 $0x7800, v0;
	_ =	sdelay $0x3  }
0x71: {  	[tilespmem:s12+$0x13C00] =	vst v1  }
0x72: {  	v1 =	vld.idx.msk [tilespmem:v2+s8+$0x0], $0xffff  }
0x73: {  	v2 =	vadd.s32 $0x7C00, v0;
	_ =	sdelay $0x3  }
0x74: {  	[tilespmem:s12+$0x13E00] =	vst v1  }
0x75: {  	v1 =	vld.idx.msk [tilespmem:v2+s8+$0x0], $0xffff  }
0x76: {  	v2 =	vadd.s32 $0x8000, v0;
	_ =	sdelay $0x3  }
0x77: {  	[tilespmem:s12+$0x14000] =	vst v1  }
0x78: {  	v1 =	vld.idx.msk [tilespmem:v2+s8+$0x0], $0xffff  }
0x79: {  	v2 =	vadd.s32 $0x8400, v0;
	_ =	sdelay $0x3  }
0x7a: {  	[tilespmem:s12+$0x14200] =	vst v1  }
0x7b: {  	v1 =	vld.idx.msk [tilespmem:v2+s8+$0x0], $0xffff  }
0x7c: {  	v2 =	vadd.s32 $0x8800, v0;
	_ =	sdelay $0x3  }
0x7d: {  	[tilespmem:s12+$0x14400] =	vst v1  }
0x7e: {  	v1 =	vld.idx.msk [tilespmem:v2+s8+$0x0], $0xffff  }
0x7f: {  	v2 =	vadd.s32 $0x8C00, v0;
	_ =	sdelay $0x3  }
0x80: {  	[tilespmem:s12+$0x14600] =	vst v1  }
0x81: {  	v1 =	vld.idx.msk [tilespmem:v2+s8+$0x0], $0xffff  }
0x82: {  	v2 =	vadd.s32 $0x9000, v0;
	_ =	sdelay $0x3  }
0x83: {  	[tilespmem:s12+$0x14800] =	vst v1  }
0x84: {  	v1 =	vld.idx.msk [tilespmem:v2+s8+$0x0], $0xffff  }
0x85: {  	v2 =	vadd.s32 $0x9400, v0;
	_ =	sdelay $0x3  }
0x86: {  	[tilespmem:s12+$0x14A00] =	vst v1  }
0x87: {  	v1 =	vld.idx.msk [tilespmem:v2+s8+$0x0], $0xffff  }
0x88: {  	v2 =	vadd.s32 $0x9800, v0;
	_ =	sdelay $0x3  }
0x89: {  	[tilespmem:s12+$0x14C00] =	vst v1  }
0x8a: {  	v1 =	vld.idx.msk [tilespmem:v2+s8+$0x0], $0xffff  }
0x8b: {  	v2 =	vadd.s32 $0x9C00, v0;
	_ =	sdelay $0x3  }
0x8c: {  	[tilespmem:s12+$0x14E00] =	vst v1  }
0x8d: {  	v1 =	vld.idx.msk [tilespmem:v2+s8+$0x0], $0xffff  }
0x8e: {  	v2 =	vadd.s32 $0xA000, v0;
	_ =	sdelay $0x3  }
0x8f: {  	[tilespmem:s12+$0x15000] =	vst v1  }
0x90: {  	v1 =	vld.idx.msk [tilespmem:v2+s8+$0x0], $0xffff  }
0x91: {  	v2 =	vadd.s32 $0xA400, v0;
	_ =	sdelay $0x3  }
0x92: {  	[tilespmem:s12+$0x15200] =	vst v1  }
0x93: {  	v1 =	vld.idx.msk [tilespmem:v2+s8+$0x0], $0xffff  }
0x94: {  	v2 =	vadd.s32 $0xA800, v0;
	_ =	sdelay $0x3  }
0x95: {  	[tilespmem:s12+$0x15400] =	vst v1  }
0x96: {  	v1 =	vld.idx.msk [tilespmem:v2+s8+$0x0], $0xffff  }
0x97: {  	v2 =	vadd.s32 $0xAC00, v0;
	_ =	sdelay $0x3  }
0x98: {  	[tilespmem:s12+$0x15600] =	vst v1  }
0x99: {  	v1 =	vld.idx.msk [tilespmem:v2+s8+$0x0], $0xffff  }
0x9a: {  	v2 =	vadd.s32 $0xB000, v0;
	_ =	sdelay $0x3  }
0x9b: {  	[tilespmem:s12+$0x15800] =	vst v1  }
0x9c: {  	v1 =	vld.idx.msk [tilespmem:v2+s8+$0x0], $0xffff  }
0x9d: {  	v2 =	vadd.s32 $0xB400, v0;
	_ =	sdelay $0x3  }
0x9e: {  	[tilespmem:s12+$0x15A00] =	vst v1  }
0x9f: {  	v1 =	vld.idx.msk [tilespmem:v2+s8+$0x0], $0xffff  }
0xa0: {  	v2 =	vadd.s32 $0xB800, v0;
	_ =	sdelay $0x3  }
0xa1: {  	[tilespmem:s12+$0x15C00] =	vst v1  }
0xa2: {  	v1 =	vld.idx.msk [tilespmem:v2+s8+$0x0], $0xffff  }
0xa3: {  	v2 =	vadd.s32 $0xBC00, v0;
	_ =	sdelay $0x3  }
0xa4: {  	[tilespmem:s12+$0x15E00] =	vst v1  }
0xa5: {  	v1 =	vld.idx.msk [tilespmem:v2+s8+$0x0], $0xffff  }
0xa6: {  	v2 =	vadd.s32 $0xC000, v0;
	_ =	sdelay $0x3  }
0xa7: {  	[tilespmem:s12+$0x16000] =	vst v1  }
0xa8: {  	v1 =	vld.idx.msk [tilespmem:v2+s8+$0x0], $0xffff  }
0xa9: {  	v2 =	vadd.s32 $0xC400, v0;
	_ =	sdelay $0x3  }
0xaa: {  	[tilespmem:s12+$0x16200] =	vst v1  }
0xab: {  	v1 =	vld.idx.msk [tilespmem:v2+s8+$0x0], $0xffff  }
0xac: {  	v2 =	vadd.s32 $0xC800, v0;
	_ =	sdelay $0x3  }
0xad: {  	[tilespmem:s12+$0x16400] =	vst v1  }
0xae: {  	v1 =	vld.idx.msk [tilespmem:v2+s8+$0x0], $0xffff  }
0xaf: {  	v2 =	vadd.s32 $0xCC00, v0;
	_ =	sdelay $0x3  }
0xb0: {  	[tilespmem:s12+$0x16600] =	vst v1  }
0xb1: {  	v1 =	vld.idx.msk [tilespmem:v2+s8+$0x0], $0xffff  }
0xb2: {  	v2 =	vadd.s32 $0xD000, v0;
	_ =	sdelay $0x3  }
0xb3: {  	[tilespmem:s12+$0x16800] =	vst v1  }
0xb4: {  	v1 =	vld.idx.msk [tilespmem:v2+s8+$0x0], $0xffff  }
0xb5: {  	v2 =	vadd.s32 $0xD400, v0;
	_ =	sdelay $0x3  }
0xb6: {  	[tilespmem:s12+$0x16A00] =	vst v1  }
0xb7: {  	v1 =	vld.idx.msk [tilespmem:v2+s8+$0x0], $0xffff  }
0xb8: {  	v2 =	vadd.s32 $0xD800, v0;
	_ =	sdelay $0x3  }
0xb9: {  	[tilespmem:s12+$0x16C00] =	vst v1  }
0xba: {  	v1 =	vld.idx.msk [tilespmem:v2+s8+$0x0], $0xffff  }
0xbb: {  	v2 =	vadd.s32 $0xDC00, v0;
	_ =	sdelay $0x3  }
0xbc: {  	[tilespmem:s12+$0x16E00] =	vst v1  }
0xbd: {  	v1 =	vld.idx.msk [tilespmem:v2+s8+$0x0], $0xffff  }
0xbe: {  	v2 =	vadd.s32 $0xE000, v0;
	_ =	sdelay $0x3  }
0xbf: {  	[tilespmem:s12+$0x17000] =	vst v1  }
0xc0: {  	v1 =	vld.idx.msk [tilespmem:v2+s8+$0x0], $0xffff  }
0xc1: {  	v2 =	vadd.s32 $0xE400, v0;
	_ =	sdelay $0x3  }
0xc2: {  	[tilespmem:s12+$0x17200] =	vst v1  }
0xc3: {  	v1 =	vld.idx.msk [tilespmem:v2+s8+$0x0], $0xffff  }
0xc4: {  	v2 =	vadd.s32 $0xE800, v0;
	_ =	sdelay $0x3  }
0xc5: {  	[tilespmem:s12+$0x17400] =	vst v1  }
0xc6: {  	v1 =	vld.idx.msk [tilespmem:v2+s8+$0x0], $0xffff  }
0xc7: {  	v2 =	vadd.s32 $0xEC00, v0;
	_ =	sdelay $0x3  }
0xc8: {  	[tilespmem:s12+$0x17600] =	vst v1  }
0xc9: {  	v1 =	vld.idx.msk [tilespmem:v2+s8+$0x0], $0xffff  }
0xca: {  	v2 =	vadd.s32 $0xF000, v0;
	_ =	sdelay $0x3  }
0xcb: {  	[tilespmem:s12+$0x17800] =	vst v1  }
0xcc: {  	v1 =	vld.idx.msk [tilespmem:v2+s8+$0x0], $0xffff  }
0xcd: {  	v2 =	vadd.s32 $0xF400, v0;
	_ =	sdelay $0x3  }
0xce: {  	[tilespmem:s12+$0x17A00] =	vst v1  }
0xcf: {  	v1 =	vld.idx.msk [tilespmem:v2+s8+$0x0], $0xffff  }
0xd0: {  	v2 =	vadd.s32 $0xF800, v0;
	_ =	sdelay $0x3  }
0xd1: {  	[tilespmem:s12+$0x17C00] =	vst v1  }
0xd2: {  	v1 =	vld.idx.msk [tilespmem:v2+s8+$0x0], $0xffff  }
0xd3: {  	v2 =	vadd.s32 $0xFC00, v0;
	_ =	sdelay $0x2  }
0xd4: {  	s14 =	simm.s32 $0x10;
	s13 =	simm.s32 $0x80  }
.LBB2_2:
0xd5: {  	p0 =	sne.s32 s13, $0x7C0;
	v0 =	vld [tilespmem:s14+$0x0];
	[tilespmem:s12+$0x17E00] =	vst v1  }
0xd6: {  	v1 =	vld.idx.msk [tilespmem:v2+s8+$0x0], $0xffff;
	_ =	sdelay $0x5  }
0xd7: {  	[tilespmem:s12+$0x18000] =	vst v1;
	s12 =	smov.u32 s14  }
0xd8: {  	v1 =	vld.idx.msk [tilespmem:v0+s8+$0x0], $0xffff;
	_ =	sdelay $0x1  }
0xd9: {  	v2 =	vadd.s32 $0x400, v0;
	_ =	sdelay $0x3  }
0xda: {  	[tilespmem:s12+$0x10200] =	vst v1  }
0xdb: {  	v1 =	vld.idx.msk [tilespmem:v2+s8+$0x0], $0xffff;
	_ =	sdelay $0x1  }
0xdc: {  	v2 =	vadd.s32 $0x800, v0;
	_ =	sdelay $0x3  }
0xdd: {  	[tilespmem:s12+$0x10400] =	vst v1  }
0xde: {  	v1 =	vld.idx.msk [tilespmem:v2+s8+$0x0], $0xffff;
	_ =	sdelay $0x1  }
0xdf: {  	v2 =	vadd.s32 $0xC00, v0;
	_ =	sdelay $0x3  }
0xe0: {  	[tilespmem:s12+$0x10600] =	vst v1  }
0xe1: {  	v1 =	vld.idx.msk [tilespmem:v2+s8+$0x0], $0xffff;
	_ =	sdelay $0x1  }
0xe2: {  	v2 =	vadd.s32 $0x1000, v0;
	_ =	sdelay $0x3  }
0xe3: {  	[tilespmem:s12+$0x10800] =	vst v1  }
0xe4: {  	v1 =	vld.idx.msk [tilespmem:v2+s8+$0x0], $0xffff;
	_ =	sdelay $0x1  }
0xe5: {  	v2 =	vadd.s32 $0x1400, v0;
	_ =	sdelay $0x3  }
0xe6: {  	[tilespmem:s12+$0x10A00] =	vst v1  }
0xe7: {  	v1 =	vld.idx.msk [tilespmem:v2+s8+$0x0], $0xffff;
	_ =	sdelay $0x1  }
0xe8: {  	v2 =	vadd.s32 $0x1800, v0;
	_ =	sdelay $0x3  }
0xe9: {  	[tilespmem:s12+$0x10C00] =	vst v1  }
0xea: {  	v1 =	vld.idx.msk [tilespmem:v2+s8+$0x0], $0xffff;
	_ =	sdelay $0x1  }
0xeb: {  	v2 =	vadd.s32 $0x1C00, v0;
	_ =	sdelay $0x3  }
0xec: {  	[tilespmem:s12+$0x10E00] =	vst v1  }
0xed: {  	v1 =	vld.idx.msk [tilespmem:v2+s8+$0x0], $0xffff;
	_ =	sdelay $0x1  }
0xee: {  	v2 =	vadd.s32 $0x2000, v0;
	_ =	sdelay $0x3  }
0xef: {  	[tilespmem:s12+$0x11000] =	vst v1  }
0xf0: {  	v1 =	vld.idx.msk [tilespmem:v2+s8+$0x0], $0xffff;
	_ =	sdelay $0x1  }
0xf1: {  	v2 =	vadd.s32 $0x2400, v0;
	_ =	sdelay $0x3  }
0xf2: {  	[tilespmem:s12+$0x11200] =	vst v1  }
0xf3: {  	v1 =	vld.idx.msk [tilespmem:v2+s8+$0x0], $0xffff;
	_ =	sdelay $0x1  }
0xf4: {  	v2 =	vadd.s32 $0x2800, v0;
	_ =	sdelay $0x3  }
0xf5: {  	[tilespmem:s12+$0x11400] =	vst v1  }
0xf6: {  	v1 =	vld.idx.msk [tilespmem:v2+s8+$0x0], $0xffff;
	_ =	sdelay $0x1  }
0xf7: {  	v2 =	vadd.s32 $0x2C00, v0;
	_ =	sdelay $0x3  }
0xf8: {  	[tilespmem:s12+$0x11600] =	vst v1  }
0xf9: {  	v1 =	vld.idx.msk [tilespmem:v2+s8+$0x0], $0xffff;
	_ =	sdelay $0x1  }
0xfa: {  	v2 =	vadd.s32 $0x3000, v0;
	_ =	sdelay $0x3  }
0xfb: {  	[tilespmem:s12+$0x11800] =	vst v1  }
0xfc: {  	v1 =	vld.idx.msk [tilespmem:v2+s8+$0x0], $0xffff;
	_ =	sdelay $0x1  }
0xfd: {  	v2 =	vadd.s32 $0x3400, v0;
	_ =	sdelay $0x3  }
0xfe: {  	[tilespmem:s12+$0x11A00] =	vst v1  }
0xff: {  	v1 =	vld.idx.msk [tilespmem:v2+s8+$0x0], $0xffff;
	_ =	sdelay $0x1  }
0x100: {  	v2 =	vadd.s32 $0x3800, v0;
	_ =	sdelay $0x3  }
0x101: {  	[tilespmem:s12+$0x11C00] =	vst v1  }
0x102: {  	v1 =	vld.idx.msk [tilespmem:v2+s8+$0x0], $0xffff;
	_ =	sdelay $0x1  }
0x103: {  	v2 =	vadd.s32 $0x3C00, v0;
	_ =	sdelay $0x3  }
0x104: {  	[tilespmem:s12+$0x11E00] =	vst v1  }
0x105: {  	v1 =	vld.idx.msk [tilespmem:v2+s8+$0x0], $0xffff;
	_ =	sdelay $0x1  }
0x106: {  	v2 =	vadd.s32 $0x4000, v0;
	_ =	sdelay $0x3  }
0x107: {  	[tilespmem:s12+$0x12000] =	vst v1  }
0x108: {  	v1 =	vld.idx.msk [tilespmem:v2+s8+$0x0], $0xffff;
	_ =	sdelay $0x1  }
0x109: {  	v2 =	vadd.s32 $0x4400, v0;
	_ =	sdelay $0x3  }
0x10a: {  	[tilespmem:s12+$0x12200] =	vst v1  }
0x10b: {  	v1 =	vld.idx.msk [tilespmem:v2+s8+$0x0], $0xffff;
	_ =	sdelay $0x1  }
0x10c: {  	v2 =	vadd.s32 $0x4800, v0;
	_ =	sdelay $0x3  }
0x10d: {  	[tilespmem:s12+$0x12400] =	vst v1  }
0x10e: {  	v1 =	vld.idx.msk [tilespmem:v2+s8+$0x0], $0xffff;
	_ =	sdelay $0x1  }
0x10f: {  	v2 =	vadd.s32 $0x4C00, v0;
	_ =	sdelay $0x3  }
0x110: {  	[tilespmem:s12+$0x12600] =	vst v1  }
0x111: {  	v1 =	vld.idx.msk [tilespmem:v2+s8+$0x0], $0xffff;
	_ =	sdelay $0x1  }
0x112: {  	v2 =	vadd.s32 $0x5000, v0;
	_ =	sdelay $0x3  }
0x113: {  	[tilespmem:s12+$0x12800] =	vst v1  }
0x114: {  	v1 =	vld.idx.msk [tilespmem:v2+s8+$0x0], $0xffff;
	_ =	sdelay $0x1  }
0x115: {  	v2 =	vadd.s32 $0x5400, v0;
	_ =	sdelay $0x3  }
0x116: {  	[tilespmem:s12+$0x12A00] =	vst v1  }
0x117: {  	v1 =	vld.idx.msk [tilespmem:v2+s8+$0x0], $0xffff;
	_ =	sdelay $0x1  }
0x118: {  	v2 =	vadd.s32 $0x5800, v0;
	_ =	sdelay $0x3  }
0x119: {  	[tilespmem:s12+$0x12C00] =	vst v1  }
0x11a: {  	v1 =	vld.idx.msk [tilespmem:v2+s8+$0x0], $0xffff;
	_ =	sdelay $0x1  }
0x11b: {  	v2 =	vadd.s32 $0x5C00, v0;
	_ =	sdelay $0x3  }
0x11c: {  	[tilespmem:s12+$0x12E00] =	vst v1  }
0x11d: {  	v1 =	vld.idx.msk [tilespmem:v2+s8+$0x0], $0xffff;
	_ =	sdelay $0x1  }
0x11e: {  	v2 =	vadd.s32 $0x6000, v0;
	_ =	sdelay $0x3  }
0x11f: {  	[tilespmem:s12+$0x13000] =	vst v1  }
0x120: {  	v1 =	vld.idx.msk [tilespmem:v2+s8+$0x0], $0xffff;
	_ =	sdelay $0x1  }
0x121: {  	v2 =	vadd.s32 $0x6400, v0;
	_ =	sdelay $0x3  }
0x122: {  	[tilespmem:s12+$0x13200] =	vst v1  }
0x123: {  	v1 =	vld.idx.msk [tilespmem:v2+s8+$0x0], $0xffff;
	_ =	sdelay $0x1  }
0x124: {  	v2 =	vadd.s32 $0x6800, v0;
	_ =	sdelay $0x3  }
0x125: {  	[tilespmem:s12+$0x13400] =	vst v1  }
0x126: {  	v1 =	vld.idx.msk [tilespmem:v2+s8+$0x0], $0xffff;
	_ =	sdelay $0x1  }
0x127: {  	v2 =	vadd.s32 $0x6C00, v0;
	_ =	sdelay $0x3  }
0x128: {  	[tilespmem:s12+$0x13600] =	vst v1  }
0x129: {  	v1 =	vld.idx.msk [tilespmem:v2+s8+$0x0], $0xffff;
	_ =	sdelay $0x1  }
0x12a: {  	v2 =	vadd.s32 $0x7000, v0;
	_ =	sdelay $0x3  }
0x12b: {  	[tilespmem:s12+$0x13800] =	vst v1  }
0x12c: {  	v1 =	vld.idx.msk [tilespmem:v2+s8+$0x0], $0xffff;
	_ =	sdelay $0x1  }
0x12d: {  	v2 =	vadd.s32 $0x7400, v0;
	_ =	sdelay $0x3  }
0x12e: {  	[tilespmem:s12+$0x13A00] =	vst v1  }
0x12f: {  	v1 =	vld.idx.msk [tilespmem:v2+s8+$0x0], $0xffff;
	_ =	sdelay $0x1  }
0x130: {  	v2 =	vadd.s32 $0x7800, v0;
	_ =	sdelay $0x3  }
0x131: {  	[tilespmem:s12+$0x13C00] =	vst v1  }
0x132: {  	v1 =	vld.idx.msk [tilespmem:v2+s8+$0x0], $0xffff;
	_ =	sdelay $0x1  }
0x133: {  	v2 =	vadd.s32 $0x7C00, v0;
	_ =	sdelay $0x3  }
0x134: {  	[tilespmem:s12+$0x13E00] =	vst v1  }
0x135: {  	v1 =	vld.idx.msk [tilespmem:v2+s8+$0x0], $0xffff;
	_ =	sdelay $0x1  }
0x136: {  	v2 =	vadd.s32 $0x8000, v0;
	_ =	sdelay $0x3  }
0x137: {  	[tilespmem:s12+$0x14000] =	vst v1  }
0x138: {  	v1 =	vld.idx.msk [tilespmem:v2+s8+$0x0], $0xffff;
	_ =	sdelay $0x1  }
0x139: {  	v2 =	vadd.s32 $0x8400, v0;
	_ =	sdelay $0x3  }
0x13a: {  	[tilespmem:s12+$0x14200] =	vst v1  }
0x13b: {  	v1 =	vld.idx.msk [tilespmem:v2+s8+$0x0], $0xffff;
	_ =	sdelay $0x1  }
0x13c: {  	v2 =	vadd.s32 $0x8800, v0;
	_ =	sdelay $0x3  }
0x13d: {  	[tilespmem:s12+$0x14400] =	vst v1  }
0x13e: {  	v1 =	vld.idx.msk [tilespmem:v2+s8+$0x0], $0xffff;
	_ =	sdelay $0x1  }
0x13f: {  	v2 =	vadd.s32 $0x8C00, v0;
	_ =	sdelay $0x3  }
0x140: {  	[tilespmem:s12+$0x14600] =	vst v1  }
0x141: {  	v1 =	vld.idx.msk [tilespmem:v2+s8+$0x0], $0xffff;
	_ =	sdelay $0x1  }
0x142: {  	v2 =	vadd.s32 $0x9000, v0;
	_ =	sdelay $0x3  }
0x143: {  	[tilespmem:s12+$0x14800] =	vst v1  }
0x144: {  	v1 =	vld.idx.msk [tilespmem:v2+s8+$0x0], $0xffff;
	_ =	sdelay $0x1  }
0x145: {  	v2 =	vadd.s32 $0x9400, v0;
	_ =	sdelay $0x3  }
0x146: {  	[tilespmem:s12+$0x14A00] =	vst v1  }
0x147: {  	v1 =	vld.idx.msk [tilespmem:v2+s8+$0x0], $0xffff;
	_ =	sdelay $0x1  }
0x148: {  	v2 =	vadd.s32 $0x9800, v0;
	_ =	sdelay $0x3  }
0x149: {  	[tilespmem:s12+$0x14C00] =	vst v1  }
0x14a: {  	v1 =	vld.idx.msk [tilespmem:v2+s8+$0x0], $0xffff;
	_ =	sdelay $0x1  }
0x14b: {  	v2 =	vadd.s32 $0x9C00, v0;
	_ =	sdelay $0x3  }
0x14c: {  	[tilespmem:s12+$0x14E00] =	vst v1  }
0x14d: {  	v1 =	vld.idx.msk [tilespmem:v2+s8+$0x0], $0xffff;
	_ =	sdelay $0x1  }
0x14e: {  	v2 =	vadd.s32 $0xA000, v0;
	_ =	sdelay $0x3  }
0x14f: {  	[tilespmem:s12+$0x15000] =	vst v1  }
0x150: {  	v1 =	vld.idx.msk [tilespmem:v2+s8+$0x0], $0xffff;
	_ =	sdelay $0x1  }
0x151: {  	v2 =	vadd.s32 $0xA400, v0;
	_ =	sdelay $0x3  }
0x152: {  	[tilespmem:s12+$0x15200] =	vst v1  }
0x153: {  	v1 =	vld.idx.msk [tilespmem:v2+s8+$0x0], $0xffff;
	_ =	sdelay $0x1  }
0x154: {  	v2 =	vadd.s32 $0xA800, v0;
	_ =	sdelay $0x3  }
0x155: {  	[tilespmem:s12+$0x15400] =	vst v1  }
0x156: {  	v1 =	vld.idx.msk [tilespmem:v2+s8+$0x0], $0xffff;
	_ =	sdelay $0x1  }
0x157: {  	v2 =	vadd.s32 $0xAC00, v0;
	_ =	sdelay $0x3  }
0x158: {  	[tilespmem:s12+$0x15600] =	vst v1  }
0x159: {  	v1 =	vld.idx.msk [tilespmem:v2+s8+$0x0], $0xffff;
	_ =	sdelay $0x1  }
0x15a: {  	v2 =	vadd.s32 $0xB000, v0;
	_ =	sdelay $0x3  }
0x15b: {  	[tilespmem:s12+$0x15800] =	vst v1  }
0x15c: {  	v1 =	vld.idx.msk [tilespmem:v2+s8+$0x0], $0xffff;
	_ =	sdelay $0x1  }
0x15d: {  	v2 =	vadd.s32 $0xB400, v0;
	_ =	sdelay $0x3  }
0x15e: {  	[tilespmem:s12+$0x15A00] =	vst v1  }
0x15f: {  	v1 =	vld.idx.msk [tilespmem:v2+s8+$0x0], $0xffff;
	_ =	sdelay $0x1  }
0x160: {  	v2 =	vadd.s32 $0xB800, v0;
	_ =	sdelay $0x3  }
0x161: {  	[tilespmem:s12+$0x15C00] =	vst v1  }
0x162: {  	v1 =	vld.idx.msk [tilespmem:v2+s8+$0x0], $0xffff;
	_ =	sdelay $0x1  }
0x163: {  	v2 =	vadd.s32 $0xBC00, v0;
	_ =	sdelay $0x3  }
0x164: {  	[tilespmem:s12+$0x15E00] =	vst v1  }
0x165: {  	v1 =	vld.idx.msk [tilespmem:v2+s8+$0x0], $0xffff;
	_ =	sdelay $0x1  }
0x166: {  	v2 =	vadd.s32 $0xC000, v0;
	_ =	sdelay $0x3  }
0x167: {  	[tilespmem:s12+$0x16000] =	vst v1  }
0x168: {  	v1 =	vld.idx.msk [tilespmem:v2+s8+$0x0], $0xffff;
	_ =	sdelay $0x1  }
0x169: {  	v2 =	vadd.s32 $0xC400, v0;
	_ =	sdelay $0x3  }
0x16a: {  	[tilespmem:s12+$0x16200] =	vst v1  }
0x16b: {  	v1 =	vld.idx.msk [tilespmem:v2+s8+$0x0], $0xffff;
	_ =	sdelay $0x1  }
0x16c: {  	v2 =	vadd.s32 $0xC800, v0;
	_ =	sdelay $0x3  }
0x16d: {  	[tilespmem:s12+$0x16400] =	vst v1  }
0x16e: {  	v1 =	vld.idx.msk [tilespmem:v2+s8+$0x0], $0xffff;
	_ =	sdelay $0x1  }
0x16f: {  	v2 =	vadd.s32 $0xCC00, v0;
	_ =	sdelay $0x3  }
0x170: {  	[tilespmem:s12+$0x16600] =	vst v1  }
0x171: {  	v1 =	vld.idx.msk [tilespmem:v2+s8+$0x0], $0xffff;
	_ =	sdelay $0x1  }
0x172: {  	v2 =	vadd.s32 $0xD000, v0;
	_ =	sdelay $0x3  }
0x173: {  	[tilespmem:s12+$0x16800] =	vst v1  }
0x174: {  	v1 =	vld.idx.msk [tilespmem:v2+s8+$0x0], $0xffff;
	_ =	sdelay $0x1  }
0x175: {  	v2 =	vadd.s32 $0xD400, v0;
	_ =	sdelay $0x3  }
0x176: {  	[tilespmem:s12+$0x16A00] =	vst v1  }
0x177: {  	v1 =	vld.idx.msk [tilespmem:v2+s8+$0x0], $0xffff;
	_ =	sdelay $0x1  }
0x178: {  	v2 =	vadd.s32 $0xD800, v0;
	_ =	sdelay $0x3  }
0x179: {  	[tilespmem:s12+$0x16C00] =	vst v1  }
0x17a: {  	v1 =	vld.idx.msk [tilespmem:v2+s8+$0x0], $0xffff;
	_ =	sdelay $0x1  }
0x17b: {  	v2 =	vadd.s32 $0xDC00, v0;
	_ =	sdelay $0x3  }
0x17c: {  	[tilespmem:s12+$0x16E00] =	vst v1  }
0x17d: {  	v1 =	vld.idx.msk [tilespmem:v2+s8+$0x0], $0xffff;
	_ =	sdelay $0x1  }
0x17e: {  	v2 =	vadd.s32 $0xE000, v0;
	_ =	sdelay $0x3  }
0x17f: {  	[tilespmem:s12+$0x17000] =	vst v1  }
0x180: {  	v1 =	vld.idx.msk [tilespmem:v2+s8+$0x0], $0xffff;
	_ =	sdelay $0x1  }
0x181: {  	v2 =	vadd.s32 $0xE400, v0;
	_ =	sdelay $0x3  }
0x182: {  	[tilespmem:s12+$0x17200] =	vst v1  }
0x183: {  	v1 =	vld.idx.msk [tilespmem:v2+s8+$0x0], $0xffff;
	_ =	sdelay $0x1  }
0x184: {  	v2 =	vadd.s32 $0xE800, v0;
	_ =	sdelay $0x3  }
0x185: {  	[tilespmem:s12+$0x17400] =	vst v1  }
0x186: {  	v1 =	vld.idx.msk [tilespmem:v2+s8+$0x0], $0xffff;
	_ =	sdelay $0x1  }
0x187: {  	v2 =	vadd.s32 $0xEC00, v0;
	_ =	sdelay $0x3  }
0x188: {  	[tilespmem:s12+$0x17600] =	vst v1  }
0x189: {  	v1 =	vld.idx.msk [tilespmem:v2+s8+$0x0], $0xffff;
	_ =	sdelay $0x1  }
0x18a: {  	v2 =	vadd.s32 $0xF000, v0;
	_ =	sdelay $0x3  }
0x18b: {  	[tilespmem:s12+$0x17800] =	vst v1  }
0x18c: {  	v1 =	vld.idx.msk [tilespmem:v2+s8+$0x0], $0xffff;
	_ =	sdelay $0x1  }
0x18d: {  	v2 =	vadd.s32 $0xF400, v0;
	_ =	sdelay $0x3  }
0x18e: {  	[tilespmem:s12+$0x17A00] =	vst v1  }
0x18f: {  	v1 =	vld.idx.msk [tilespmem:v2+s8+$0x0], $0xffff;
	_ =	sdelay $0x1  }
0x190: {  	v2 =	vadd.s32 $0xF800, v0;
	_ =	sdelay $0x3  }
0x191: {  	[tilespmem:s12+$0x17C00] =	vst v1  }
0x192: {  	v1 =	vld.idx.msk [tilespmem:v2+s8+$0x0], $0xffff  }
.Ltmp0:
0x193: {  	(pc) =	sbr.rel @p0 .LBB2_2-.Ltmp0, $2  }
0x194: {  	v2 =	vadd.s32 $0xFC00, v0;
	_ =	sdelay $0x2  }
0x195: {  	s14 =	sshra.s32 s13, $0x2;
	s13 =	sadd.s32 $0x40, s13  }
0x196: {  	_ =	sdelay $0x1  }
0x197: {  	v0 =	vld [tilespmem:s14+$0x0]  }
0x198: {  	[tilespmem:s12+$0x17E00] =	vst v1  }
0x199: {  	v1 =	vld.idx.msk [tilespmem:v2+s8+$0x0], $0xffff;
	_ =	sdelay $0x4  }
0x19a: {  	[tilespmem:s12+$0x18000] =	vst v1  }
0x19b: {  	v1 =	vld.idx.msk [tilespmem:v0+s8+$0x0], $0xffff  }
0x19c: {  	v62 =	vadd.s32 $0x400, v0;
	_ =	sdelay $0x3  }
0x19d: {  	[tilespmem:s14+$0x10200] =	vst v1  }
0x19e: {  	v1 =	vld.idx.msk [tilespmem:v62+s8+$0x0], $0xffff  }
0x19f: {  	v63 =	vadd.s32 $0x800, v0;
	_ =	sdelay $0x3  }
0x1a0: {  	[tilespmem:s14+$0x10400] =	vst v1  }
0x1a1: {  	v1 =	vld.idx.msk [tilespmem:v63+s8+$0x0], $0xffff  }
0x1a2: {  	v4 =	vadd.s32 $0xC00, v0;
	_ =	sdelay $0x3  }
0x1a3: {  	[tilespmem:s14+$0x10600] =	vst v1  }
0x1a4: {  	v1 =	vld.idx.msk [tilespmem:v4+s8+$0x0], $0xffff  }
0x1a5: {  	v5 =	vadd.s32 $0x1000, v0;
	_ =	sdelay $0x3  }
0x1a6: {  	[tilespmem:s14+$0x10800] =	vst v1  }
0x1a7: {  	v1 =	vld.idx.msk [tilespmem:v5+s8+$0x0], $0xffff  }
0x1a8: {  	v6 =	vadd.s32 $0x1400, v0;
	_ =	sdelay $0x3  }
0x1a9: {  	[tilespmem:s14+$0x10A00] =	vst v1  }
0x1aa: {  	v1 =	vld.idx.msk [tilespmem:v6+s8+$0x0], $0xffff  }
0x1ab: {  	v7 =	vadd.s32 $0x1800, v0;
	_ =	sdelay $0x3  }
0x1ac: {  	[tilespmem:s14+$0x10C00] =	vst v1  }
0x1ad: {  	v1 =	vld.idx.msk [tilespmem:v7+s8+$0x0], $0xffff  }
0x1ae: {  	v8 =	vadd.s32 $0x1C00, v0;
	_ =	sdelay $0x3  }
0x1af: {  	[tilespmem:s14+$0x10E00] =	vst v1  }
0x1b0: {  	v1 =	vld.idx.msk [tilespmem:v8+s8+$0x0], $0xffff  }
0x1b1: {  	v9 =	vadd.s32 $0x2000, v0;
	_ =	sdelay $0x3  }
0x1b2: {  	[tilespmem:s14+$0x11000] =	vst v1  }
0x1b3: {  	v1 =	vld.idx.msk [tilespmem:v9+s8+$0x0], $0xffff  }
0x1b4: {  	v10 =	vadd.s32 $0x2400, v0;
	_ =	sdelay $0x3  }
0x1b5: {  	[tilespmem:s14+$0x11200] =	vst v1  }
0x1b6: {  	v1 =	vld.idx.msk [tilespmem:v10+s8+$0x0], $0xffff  }
0x1b7: {  	v11 =	vadd.s32 $0x2800, v0;
	_ =	sdelay $0x3  }
0x1b8: {  	[tilespmem:s14+$0x11400] =	vst v1  }
0x1b9: {  	v1 =	vld.idx.msk [tilespmem:v11+s8+$0x0], $0xffff  }
0x1ba: {  	v12 =	vadd.s32 $0x2C00, v0;
	_ =	sdelay $0x3  }
0x1bb: {  	[tilespmem:s14+$0x11600] =	vst v1  }
0x1bc: {  	v1 =	vld.idx.msk [tilespmem:v12+s8+$0x0], $0xffff  }
0x1bd: {  	v13 =	vadd.s32 $0x3000, v0;
	_ =	sdelay $0x3  }
0x1be: {  	[tilespmem:s14+$0x11800] =	vst v1  }
0x1bf: {  	v1 =	vld.idx.msk [tilespmem:v13+s8+$0x0], $0xffff  }
0x1c0: {  	v14 =	vadd.s32 $0x3400, v0;
	_ =	sdelay $0x3  }
0x1c1: {  	[tilespmem:s14+$0x11A00] =	vst v1  }
0x1c2: {  	v1 =	vld.idx.msk [tilespmem:v14+s8+$0x0], $0xffff  }
0x1c3: {  	v15 =	vadd.s32 $0x3800, v0;
	_ =	sdelay $0x3  }
0x1c4: {  	[tilespmem:s14+$0x11C00] =	vst v1  }
0x1c5: {  	v1 =	vld.idx.msk [tilespmem:v15+s8+$0x0], $0xffff  }
0x1c6: {  	v16 =	vadd.s32 $0x3C00, v0;
	_ =	sdelay $0x3  }
0x1c7: {  	[tilespmem:s14+$0x11E00] =	vst v1  }
0x1c8: {  	v1 =	vld.idx.msk [tilespmem:v16+s8+$0x0], $0xffff  }
0x1c9: {  	v17 =	vadd.s32 $0x4000, v0;
	_ =	sdelay $0x3  }
0x1ca: {  	[tilespmem:s14+$0x12000] =	vst v1  }
0x1cb: {  	v1 =	vld.idx.msk [tilespmem:v17+s8+$0x0], $0xffff  }
0x1cc: {  	v18 =	vadd.s32 $0x4400, v0;
	_ =	sdelay $0x3  }
0x1cd: {  	[tilespmem:s14+$0x12200] =	vst v1  }
0x1ce: {  	v1 =	vld.idx.msk [tilespmem:v18+s8+$0x0], $0xffff  }
0x1cf: {  	v19 =	vadd.s32 $0x4800, v0;
	_ =	sdelay $0x3  }
0x1d0: {  	[tilespmem:s14+$0x12400] =	vst v1  }
0x1d1: {  	v1 =	vld.idx.msk [tilespmem:v19+s8+$0x0], $0xffff  }
0x1d2: {  	v20 =	vadd.s32 $0x4C00, v0;
	_ =	sdelay $0x3  }
0x1d3: {  	[tilespmem:s14+$0x12600] =	vst v1  }
0x1d4: {  	v1 =	vld.idx.msk [tilespmem:v20+s8+$0x0], $0xffff  }
0x1d5: {  	v21 =	vadd.s32 $0x5000, v0;
	_ =	sdelay $0x3  }
0x1d6: {  	[tilespmem:s14+$0x12800] =	vst v1  }
0x1d7: {  	v1 =	vld.idx.msk [tilespmem:v21+s8+$0x0], $0xffff  }
0x1d8: {  	v22 =	vadd.s32 $0x5400, v0;
	_ =	sdelay $0x3  }
0x1d9: {  	[tilespmem:s14+$0x12A00] =	vst v1  }
0x1da: {  	v1 =	vld.idx.msk [tilespmem:v22+s8+$0x0], $0xffff  }
0x1db: {  	v23 =	vadd.s32 $0x5800, v0;
	_ =	sdelay $0x3  }
0x1dc: {  	[tilespmem:s14+$0x12C00] =	vst v1  }
0x1dd: {  	v1 =	vld.idx.msk [tilespmem:v23+s8+$0x0], $0xffff  }
0x1de: {  	v24 =	vadd.s32 $0x5C00, v0;
	_ =	sdelay $0x3  }
0x1df: {  	[tilespmem:s14+$0x12E00] =	vst v1  }
0x1e0: {  	v1 =	vld.idx.msk [tilespmem:v24+s8+$0x0], $0xffff  }
0x1e1: {  	v25 =	vadd.s32 $0x6000, v0;
	_ =	sdelay $0x3  }
0x1e2: {  	[tilespmem:s14+$0x13000] =	vst v1  }
0x1e3: {  	v1 =	vld.idx.msk [tilespmem:v25+s8+$0x0], $0xffff  }
0x1e4: {  	v26 =	vadd.s32 $0x6400, v0;
	_ =	sdelay $0x3  }
0x1e5: {  	[tilespmem:s14+$0x13200] =	vst v1  }
0x1e6: {  	v1 =	vld.idx.msk [tilespmem:v26+s8+$0x0], $0xffff  }
0x1e7: {  	v27 =	vadd.s32 $0x6800, v0;
	_ =	sdelay $0x3  }
0x1e8: {  	[tilespmem:s14+$0x13400] =	vst v1  }
0x1e9: {  	v1 =	vld.idx.msk [tilespmem:v27+s8+$0x0], $0xffff  }
0x1ea: {  	v28 =	vadd.s32 $0x6C00, v0;
	_ =	sdelay $0x3  }
0x1eb: {  	[tilespmem:s14+$0x13600] =	vst v1  }
0x1ec: {  	v1 =	vld.idx.msk [tilespmem:v28+s8+$0x0], $0xffff  }
0x1ed: {  	v29 =	vadd.s32 $0x7000, v0;
	_ =	sdelay $0x3  }
0x1ee: {  	[tilespmem:s14+$0x13800] =	vst v1  }
0x1ef: {  	v1 =	vld.idx.msk [tilespmem:v29+s8+$0x0], $0xffff  }
0x1f0: {  	v30 =	vadd.s32 $0x7400, v0;
	_ =	sdelay $0x3  }
0x1f1: {  	[tilespmem:s14+$0x13A00] =	vst v1  }
0x1f2: {  	v1 =	vld.idx.msk [tilespmem:v30+s8+$0x0], $0xffff  }
0x1f3: {  	v31 =	vadd.s32 $0x7800, v0;
	_ =	sdelay $0x3  }
0x1f4: {  	[tilespmem:s14+$0x13C00] =	vst v1  }
0x1f5: {  	v1 =	vld.idx.msk [tilespmem:v31+s8+$0x0], $0xffff  }
0x1f6: {  	v32 =	vadd.s32 $0x7C00, v0;
	_ =	sdelay $0x3  }
0x1f7: {  	[tilespmem:s14+$0x13E00] =	vst v1  }
0x1f8: {  	v1 =	vld.idx.msk [tilespmem:v32+s8+$0x0], $0xffff  }
0x1f9: {  	v33 =	vadd.s32 $0x8000, v0;
	_ =	sdelay $0x3  }
0x1fa: {  	[tilespmem:s14+$0x14000] =	vst v1  }
0x1fb: {  	v1 =	vld.idx.msk [tilespmem:v33+s8+$0x0], $0xffff  }
0x1fc: {  	v34 =	vadd.s32 $0x8400, v0;
	_ =	sdelay $0x3  }
0x1fd: {  	[tilespmem:s14+$0x14200] =	vst v1  }
0x1fe: {  	v1 =	vld.idx.msk [tilespmem:v34+s8+$0x0], $0xffff  }
0x1ff: {  	v35 =	vadd.s32 $0x8800, v0;
	_ =	sdelay $0x3  }
0x200: {  	[tilespmem:s14+$0x14400] =	vst v1  }
0x201: {  	v1 =	vld.idx.msk [tilespmem:v35+s8+$0x0], $0xffff  }
0x202: {  	v36 =	vadd.s32 $0x8C00, v0;
	_ =	sdelay $0x3  }
0x203: {  	[tilespmem:s14+$0x14600] =	vst v1  }
0x204: {  	v1 =	vld.idx.msk [tilespmem:v36+s8+$0x0], $0xffff  }
0x205: {  	v37 =	vadd.s32 $0x9000, v0;
	_ =	sdelay $0x3  }
0x206: {  	[tilespmem:s14+$0x14800] =	vst v1  }
0x207: {  	v1 =	vld.idx.msk [tilespmem:v37+s8+$0x0], $0xffff  }
0x208: {  	v38 =	vadd.s32 $0x9400, v0;
	_ =	sdelay $0x3  }
0x209: {  	[tilespmem:s14+$0x14A00] =	vst v1  }
0x20a: {  	v1 =	vld.idx.msk [tilespmem:v38+s8+$0x0], $0xffff  }
0x20b: {  	v39 =	vadd.s32 $0x9800, v0;
	_ =	sdelay $0x3  }
0x20c: {  	[tilespmem:s14+$0x14C00] =	vst v1  }
0x20d: {  	v1 =	vld.idx.msk [tilespmem:v39+s8+$0x0], $0xffff  }
0x20e: {  	v40 =	vadd.s32 $0x9C00, v0;
	_ =	sdelay $0x3  }
0x20f: {  	[tilespmem:s14+$0x14E00] =	vst v1  }
0x210: {  	v1 =	vld.idx.msk [tilespmem:v40+s8+$0x0], $0xffff  }
0x211: {  	v41 =	vadd.s32 $0xA000, v0;
	_ =	sdelay $0x3  }
0x212: {  	[tilespmem:s14+$0x15000] =	vst v1  }
0x213: {  	v1 =	vld.idx.msk [tilespmem:v41+s8+$0x0], $0xffff  }
0x214: {  	v42 =	vadd.s32 $0xA400, v0;
	_ =	sdelay $0x3  }
0x215: {  	[tilespmem:s14+$0x15200] =	vst v1  }
0x216: {  	v1 =	vld.idx.msk [tilespmem:v42+s8+$0x0], $0xffff  }
0x217: {  	v43 =	vadd.s32 $0xA800, v0;
	_ =	sdelay $0x3  }
0x218: {  	[tilespmem:s14+$0x15400] =	vst v1  }
0x219: {  	v1 =	vld.idx.msk [tilespmem:v43+s8+$0x0], $0xffff  }
0x21a: {  	v44 =	vadd.s32 $0xAC00, v0;
	_ =	sdelay $0x3  }
0x21b: {  	[tilespmem:s14+$0x15600] =	vst v1  }
0x21c: {  	v1 =	vld.idx.msk [tilespmem:v44+s8+$0x0], $0xffff  }
0x21d: {  	v45 =	vadd.s32 $0xB000, v0;
	_ =	sdelay $0x3  }
0x21e: {  	[tilespmem:s14+$0x15800] =	vst v1  }
0x21f: {  	v1 =	vld.idx.msk [tilespmem:v45+s8+$0x0], $0xffff  }
0x220: {  	v46 =	vadd.s32 $0xB400, v0;
	_ =	sdelay $0x3  }
0x221: {  	[tilespmem:s14+$0x15A00] =	vst v1  }
0x222: {  	v1 =	vld.idx.msk [tilespmem:v46+s8+$0x0], $0xffff  }
0x223: {  	v47 =	vadd.s32 $0xB800, v0;
	_ =	sdelay $0x3  }
0x224: {  	[tilespmem:s14+$0x15C00] =	vst v1  }
0x225: {  	v1 =	vld.idx.msk [tilespmem:v47+s8+$0x0], $0xffff  }
0x226: {  	v48 =	vadd.s32 $0xBC00, v0;
	_ =	sdelay $0x3  }
0x227: {  	[tilespmem:s14+$0x15E00] =	vst v1  }
0x228: {  	v1 =	vld.idx.msk [tilespmem:v48+s8+$0x0], $0xffff  }
0x229: {  	v49 =	vadd.s32 $0xC000, v0;
	_ =	sdelay $0x3  }
0x22a: {  	[tilespmem:s14+$0x16000] =	vst v1  }
0x22b: {  	v1 =	vld.idx.msk [tilespmem:v49+s8+$0x0], $0xffff  }
0x22c: {  	v50 =	vadd.s32 $0xC400, v0;
	_ =	sdelay $0x3  }
0x22d: {  	[tilespmem:s14+$0x16200] =	vst v1  }
0x22e: {  	v1 =	vld.idx.msk [tilespmem:v50+s8+$0x0], $0xffff  }
0x22f: {  	v51 =	vadd.s32 $0xC800, v0;
	_ =	sdelay $0x3  }
0x230: {  	[tilespmem:s14+$0x16400] =	vst v1  }
0x231: {  	v1 =	vld.idx.msk [tilespmem:v51+s8+$0x0], $0xffff  }
0x232: {  	v52 =	vadd.s32 $0xCC00, v0;
	_ =	sdelay $0x3  }
0x233: {  	[tilespmem:s14+$0x16600] =	vst v1  }
0x234: {  	v1 =	vld.idx.msk [tilespmem:v52+s8+$0x0], $0xffff  }
0x235: {  	v53 =	vadd.s32 $0xD000, v0;
	_ =	sdelay $0x3  }
0x236: {  	[tilespmem:s14+$0x16800] =	vst v1  }
0x237: {  	v1 =	vld.idx.msk [tilespmem:v53+s8+$0x0], $0xffff  }
0x238: {  	v54 =	vadd.s32 $0xD400, v0;
	_ =	sdelay $0x3  }
0x239: {  	[tilespmem:s14+$0x16A00] =	vst v1  }
0x23a: {  	v1 =	vld.idx.msk [tilespmem:v54+s8+$0x0], $0xffff  }
0x23b: {  	v55 =	vadd.s32 $0xD800, v0;
	_ =	sdelay $0x3  }
0x23c: {  	[tilespmem:s14+$0x16C00] =	vst v1  }
0x23d: {  	v1 =	vld.idx.msk [tilespmem:v55+s8+$0x0], $0xffff  }
0x23e: {  	v56 =	vadd.s32 $0xDC00, v0;
	_ =	sdelay $0x3  }
0x23f: {  	[tilespmem:s14+$0x16E00] =	vst v1  }
0x240: {  	v1 =	vld.idx.msk [tilespmem:v56+s8+$0x0], $0xffff  }
0x241: {  	v57 =	vadd.s32 $0xE000, v0;
	_ =	sdelay $0x3  }
0x242: {  	[tilespmem:s14+$0x17000] =	vst v1  }
0x243: {  	v1 =	vld.idx.msk [tilespmem:v57+s8+$0x0], $0xffff  }
0x244: {  	v58 =	vadd.s32 $0xE400, v0;
	_ =	sdelay $0x3  }
0x245: {  	[tilespmem:s14+$0x17200] =	vst v1  }
0x246: {  	v1 =	vld.idx.msk [tilespmem:v58+s8+$0x0], $0xffff  }
0x247: {  	v59 =	vadd.s32 $0xE800, v0;
	_ =	sdelay $0x3  }
0x248: {  	[tilespmem:s14+$0x17400] =	vst v1  }
0x249: {  	v1 =	vld.idx.msk [tilespmem:v59+s8+$0x0], $0xffff  }
0x24a: {  	v60 =	vadd.s32 $0xEC00, v0;
	_ =	sdelay $0x3  }
0x24b: {  	[tilespmem:s14+$0x17600] =	vst v1  }
0x24c: {  	v1 =	vld.idx.msk [tilespmem:v60+s8+$0x0], $0xffff  }
0x24d: {  	v61 =	vadd.s32 $0xF000, v0;
	_ =	sdelay $0x3  }
0x24e: {  	[tilespmem:s14+$0x17800] =	vst v1  }
0x24f: {  	v1 =	vld.idx.msk [tilespmem:v61+s8+$0x0], $0xffff  }
0x250: {  	v62 =	vadd.s32 $0xF400, v0;
	_ =	sdelay $0x3  }
0x251: {  	[tilespmem:s14+$0x17A00] =	vst v1  }
0x252: {  	v1 =	vld.idx.msk [tilespmem:v62+s8+$0x0], $0xffff  }
0x253: {  	v63 =	vadd.s32 $0xF800, v0;
	_ =	sdelay $0x3  }
0x254: {  	[tilespmem:s14+$0x17C00] =	vst v1  }
0x255: {  	v1 =	vld.idx.msk [tilespmem:v63+s8+$0x0], $0xffff  }
0x256: {  	v0 =	vadd.s32 $0xFC00, v0;
	_ =	sdelay $0x3  }
0x257: {  	[tilespmem:s14+$0x17E00] =	vst v1  }
0x258: {  	v0 =	vld.idx.msk [tilespmem:v0+s8+$0x0], $0xffff;
	_ =	sdelay $0x2  }
0x259: {  	s11 =	sadd.s32 $0x1, s11  }
0x25a: {  	p0 =	sne.s32 s11, s7  }
.Ltmp1:
0x25b: {  	[tilespmem:s14+$0x18000] =	vst v0;
	(pc) =	sbr.rel @p0 .LBB2_1-.Ltmp1, $4  }
0x25c: {  	[hbm4b:s6+s8] =	stream.strided.scatter [tilespmem:s10], [sflag:$0x1], $0x8000, s9, s8, $0x38;
	[tilespmem:$0x18200] =	vst v63  }
0x25d: {  	_ =	swait.ge [sflag:s4], $0x8000  }
0x25e: {  	[sflag:s4] =	ssyncset.done $0x0  }
0x25f: {  	[sflag:s4] =	ssyncadd.s32 $0xFFFF8000  }
0x260: {  	_ =	sfence.sel $0x180000  }
0x261: {  	[bflag:$0x0] =	sbarrier.arrive $0xFFFF  }
0x262: {  	p0 =	sne.s32 s0, $0x0;
	_ =	strace $0x90000047  }
0x263: {  	s0 =	sadd.s32 @!p0 $0x100000, s2;
	[bflag:$0x2] =	sbarrier.arrive $0xFFFF  }
0x264: {  	[sflag:s0] =	ssyncadd.tile.s32 @!p0 $0x1;
	_ =	shalt  }
.Lfunc_end2:
_tile_overlayer_lowered:
.L_overlay_start_2:
0x265: {  	(tag) =	ssettag $0x2  }
0x266: {  	s0 =	rddreg [dreg:$0x0];
	s2 =	stileid.u32  }
0x267: {  	s1 =	rddreg [dreg:$0x1];
	p0 =	sne.s32 s2, $0x0  }
0x268: {  	s3 =	rddreg [dreg:$0x2];
	[bflag:$0x3] =	sbarrier.arrive $0xFFFF;
	s2 =	simm.s32 @!p0 $0x1C02  }
0x269: {  	[timem:s3], [sflag:s2] =	dma.local @!p0 [hbm:s0], s1  }
0x26a: {  	s0 =	simm.s32 @!p0 $0x2  }
0x26b: {  	_ =	swait.ge @!p0 [sflag:s0], s1  }
0x26c: {  	s1 =	ssub.s32 @!p0 $0x0, s1;
	[sflag:s0] =	ssyncset.done @!p0 $0x0  }
0x26d: {  	[sflag:s0] =	ssyncadd.s32 @!p0 s1  }
0x26e: {  	[bflag:$0x3] =	sbarrier.arrive $0xFFFF  }
0x26f: {  	_ =	shalt  }

</sc_bundles>
